<compile_context>
chip_gen: v7x
topology: tpu7x:2x2x1
jax: 0.10.2.dev20260603
libtpu: 0.0.44.dev20260713+nightly
codegen_flags: <defaults>
</compile_context>

<pallas_src>
import functools

import jax
import jax.numpy as jnp
from jax import lax
from jax.experimental import pallas as pl
from jax.experimental.pallas import tpu as pltpu
from jax.experimental.pallas import tpu_sc as plsc

N = 10000
E = 320000
D = 128
L = 4
M = 10
MAX_N = 100

NUM_TILES = 32
EDGES_PER_TILE = E // NUM_TILES
CHUNK = 125
NCHUNKS = EDGES_PER_TILE // CHUNK
ROWS_PER_TILE = N // 16




@functools.lru_cache(maxsize=1)
def _build_sc_agg():
    mesh = plsc.VectorSubcoreMesh(core_axis_name="c", subcore_axis_name="s")

    @functools.partial(
        pl.kernel,
        mesh=mesh,
        out_type=jax.ShapeDtypeStruct((2, 16, ROWS_PER_TILE, D), jnp.float32),
        scratch_types=[
            pltpu.VMEM((NCHUNKS, CHUNK), jnp.int32),
            pltpu.VMEM((NCHUNKS, CHUNK), jnp.int32),
            pltpu.VMEM((CHUNK, D), jnp.float32),
            pltpu.VMEM_SHARED((N, D), jnp.float32),
            pltpu.SemaphoreType.DMA,
        ],
    )
    def sc_agg(h_hbm, src_hbm, dst_hbm, zero_hbm, out_hbm,
               src_v, dst_v, r0, agg_sh, s0):
        cid = lax.axis_index("c")
        sid = lax.axis_index("s")
        wid = cid * 16 + sid
        pltpu.sync_copy(src_hbm.at[wid], src_v)
        pltpu.sync_copy(dst_hbm.at[wid], dst_v)
        pltpu.sync_copy(zero_hbm, agg_sh.at[pl.ds(sid * ROWS_PER_TILE, ROWS_PER_TILE)])
        plsc.subcore_barrier()

        def chunk(j, carry):
            pltpu.async_copy(h_hbm.at[src_v.at[j]], r0, s0).wait()
            pltpu.sync_copy(r0, agg_sh.at[dst_v.at[j]], add=True)
            return carry

        lax.fori_loop(0, NCHUNKS, chunk, 0)
        plsc.subcore_barrier()
        pltpu.sync_copy(agg_sh.at[pl.ds(sid * ROWS_PER_TILE, ROWS_PER_TILE)],
                        out_hbm.at[cid, sid])

    return sc_agg


def _sc_agg(h, src, dst, zeros):
    return _build_sc_agg()(h, src, dst, zeros)



def _bn(z, g, b):
    mu = jnp.mean(z, axis=0, keepdims=True)
    var = jnp.mean((z - mu) ** 2, axis=0, keepdims=True)
    return (z - mu) / jnp.sqrt(var + 1e-5) * g + b


def _embed_body(x_ref, w_ref, b_ref, g_ref, bb_ref, out_ref):
    h = jnp.dot(x_ref[...], w_ref[...],
                preferred_element_type=jnp.float32) + b_ref[...]
    out_ref[...] = _bn(h, g_ref[...], bb_ref[...])


def _gin_body(h_ref, a0_ref, a1_ref, w1_ref, b1_ref, w2_ref, b2_ref,
              g_ref, bb_ref, out_ref):
    z = h_ref[...] + (a0_ref[...] + a1_ref[...])
    t = jnp.maximum(jnp.dot(z, w1_ref[...],
                            preferred_element_type=jnp.float32) + b1_ref[...], 0.0)
    t = jnp.dot(t, w2_ref[...],
                preferred_element_type=jnp.float32) + b2_ref[...]
    out_ref[...] = _bn(t, g_ref[...], bb_ref[...])


def _out_body(h_ref, w0_ref, b0_ref, w1_ref, b1_ref, w2t_ref, b2_ref,
              mu_ref, std_ref):
    h = h_ref[...]
    ys = []
    for m in range(M):
        y = jnp.maximum(jnp.dot(h, w0_ref[m],
                                preferred_element_type=jnp.float32) + b0_ref[m], 0.0)
        y = jnp.maximum(jnp.dot(y, w1_ref[m],
                                preferred_element_type=jnp.float32) + b1_ref[m], 0.0)
        ys.append(jnp.sum(y * w2t_ref[m], axis=1, keepdims=True) + b2_ref[m])
    acc = ys[0]
    for yv in ys[1:]:
        acc = acc + yv
    mu = acc * (1.0 / M)
    acc2 = (ys[0] - mu) ** 2
    for yv in ys[1:]:
        acc2 = acc2 + (yv - mu) ** 2
    mu_ref[...] = mu
    std_ref[...] = jnp.sqrt(acc2 * (1.0 / M))


def _dense(body, out_shapes, *args):
    return pl.pallas_call(
        body,
        out_shape=out_shapes,
    )(*args)



def kernel(x, edge_index, input_idx, lin_embed_W, lin_embed_b, input_bn_g,
           input_bn_b, gin_W1, gin_b1, gin_W2, gin_b2, gin_bn_g, gin_bn_b,
           out_W0, out_b0, out_W1, out_b1, out_W2, out_b2):
    del input_idx

    src = edge_index[0].reshape(NUM_TILES, NCHUNKS, CHUNK)
    dst = edge_index[1].reshape(NUM_TILES, NCHUNKS, CHUNK)
    zeros = jnp.zeros((ROWS_PER_TILE, D), jnp.float32)

    r = lambda v: v.reshape(1, -1)

    h = _dense(_embed_body, jax.ShapeDtypeStruct((N, D), jnp.float32),
               x, lin_embed_W, r(lin_embed_b), r(input_bn_g), r(input_bn_b))

    for i in range(L):
        parts = _sc_agg(h, src, dst, zeros)
        a0 = parts[0].reshape(N, D)
        a1 = parts[1].reshape(N, D)
        h = _dense(_gin_body, jax.ShapeDtypeStruct((N, D), jnp.float32),
                   h, a0, a1, gin_W1[i], r(gin_b1[i]), gin_W2[i], r(gin_b2[i]),
                   r(gin_bn_g[i]), r(gin_bn_b[i]))

    w2t = out_W2.transpose(0, 2, 1)
    b2 = out_b2.reshape(M, 1, 1)
    b0 = out_b0.reshape(M, 1, D)
    b1 = out_b1.reshape(M, 1, D)
    BLK = 2000
    full = lambda s: pl.BlockSpec(s, lambda i: (0,) * len(s))
    mu, std = pl.pallas_call(
        _out_body,
        grid=(N // BLK,),
        in_specs=[
            pl.BlockSpec((BLK, D), lambda i: (i, 0)),
            full((M, D, D)), full((M, 1, D)),
            full((M, D, D)), full((M, 1, D)),
            full((M, 1, D)), full((M, 1, 1)),
        ],
        out_specs=(pl.BlockSpec((BLK, 1), lambda i: (i, 0)),
                   pl.BlockSpec((BLK, 1), lambda i: (i, 0))),
        out_shape=(jax.ShapeDtypeStruct((N, 1), jnp.float32),
                   jax.ShapeDtypeStruct((N, 1), jnp.float32)),
    )(h, out_W0, b0, out_W1, b1, w2t, b2)
    return (mu.reshape(-1, MAX_N, 1), std.reshape(-1, MAX_N, 1))

# --- scband reference (transcript-rebuilt; emitter-appended) ---
"""Pipeline reference for scband-gin-78408922956190 (READ-ONLY COPY).

The authoritative reference and input builder live on the scoring server;
editing this copy changes nothing except your own understanding.
"""

import jax, jax.numpy as jnp
import numpy as np

N = 10000
E = 320000
F_IN = 128
D = 128
L = 4
M = 10
MAX_N = 100


def setup_inputs(seed: int = 0) -> dict:
    key = jax.random.key(seed)
    ks = jax.random.split(key, 12)
    s = 0.05
    inp = {}
    inp["x"] = jax.random.normal(ks[0], (N, F_IN), dtype=jnp.float32)
    inp["edge_index"] = jax.random.randint(ks[1], (2, E), 0, N)
    inp["input_idx"] = jax.random.randint(ks[2], (N // MAX_N,), 0, M)
    inp["lin_embed_W"] = jax.random.normal(ks[3], (F_IN, D), dtype=jnp.float32) * s
    inp["lin_embed_b"] = jnp.zeros((D,), dtype=jnp.float32)
    inp["input_bn_g"] = jnp.ones((D,), dtype=jnp.float32)
    inp["input_bn_b"] = jnp.zeros((D,), dtype=jnp.float32)
    inp["gin_W1"] = jax.random.normal(ks[4], (L, D, D), dtype=jnp.float32) * s
    inp["gin_b1"] = jnp.zeros((L, D), dtype=jnp.float32)
    inp["gin_W2"] = jax.random.normal(ks[5], (L, D, D), dtype=jnp.float32) * s
    inp["gin_b2"] = jnp.zeros((L, D), dtype=jnp.float32)
    inp["gin_bn_g"] = jnp.ones((L, D), dtype=jnp.float32)
    inp["gin_bn_b"] = jnp.zeros((L, D), dtype=jnp.float32)
    inp["out_W0"] = jax.random.normal(ks[6], (M, D, D), dtype=jnp.float32) * s
    inp["out_b0"] = jnp.zeros((M, D), dtype=jnp.float32)
    inp["out_W1"] = jax.random.normal(ks[7], (M, D, D), dtype=jnp.float32) * s
    inp["out_b1"] = jnp.zeros((M, D), dtype=jnp.float32)
    inp["out_W2"] = jax.random.normal(ks[8], (M, D, 1), dtype=jnp.float32) * s
    inp["out_b2"] = jnp.zeros((M, 1), dtype=jnp.float32)
    return inp


def _bn(x, g, b):
    # BatchNorm1d in training mode (batch statistics), affine g/b
    mu = jnp.mean(x, axis=0, keepdims=True)
    var = jnp.var(x, axis=0, keepdims=True)
    return (x - mu) / jnp.sqrt(var + 1e-5) * g + b


def reference(x, edge_index, input_idx, lin_embed_W, lin_embed_b, input_bn_g, input_bn_b,
              gin_W1, gin_b1, gin_W2, gin_b2, gin_bn_g, gin_bn_b,
              out_W0, out_b0, out_W1, out_b1, out_W2, out_b2):
    h = x @ lin_embed_W + lin_embed_b
    h = _bn(h, input_bn_g, input_bn_b)
    src = edge_index[0]
    dst = edge_index[1]
    for i in range(L):
        # GINConv with eps=0: out = mlp((1+eps)*x + sum_{j in N(i)} x_j)
        agg = jnp.zeros_like(h).at[dst].add(h[src])
        z = h + agg
        z = jax.nn.relu(z @ gin_W1[i] + gin_b1[i]) @ gin_W2[i] + gin_b2[i]
        h = _bn(z, gin_bn_g[i], gin_bn_b[i])
    vert = h.reshape(-1, MAX_N, D)
    outs = []
    for m in range(M):
        y = jax.nn.relu(vert @ out_W0[m] + out_b0[m])
        y = jax.nn.relu(y @ out_W1[m] + out_b1[m])
        y = y @ out_W2[m] + out_b2[m]
        outs.append(y)
    mix = jnp.stack(outs, 0)  # [M, B, MAX_N, 1]
    # bootstrap_compute in eval mode: ensemble mean and std over mixture axis
    mu = jnp.mean(mix, axis=0)
    std = jnp.std(mix, axis=0)
    return (mu, std)

if __name__ == "__main__":
    import jax
    _d = setup_inputs()
    print(jax.jit(kernel)(*tuple(_d.values())))

</pallas_src>

<mosaic_0001>
#map = affine_map<(d0, d1) -> (0, 0)>
#map1 = affine_map<(d0, d1) -> (0, 0, 0)>
#map2 = affine_map<(d0, d1) -> (0, 0, 0, 0)>
module attributes {stable_mosaic.version = 14 : i64} {
  func.func @sc_agg(%arg0: i32, %arg1: i32, %arg2: memref<10000x128xf32, #tpu.memory_space<hbm>>, %arg3: memref<32x80x125xi32, #tpu.memory_space<hbm>>, %arg4: memref<32x80x125xi32, #tpu.memory_space<hbm>>, %arg5: memref<625x128xf32, #tpu.memory_space<hbm>>, %arg6: memref<2x16x625x128xf32, #tpu.memory_space<hbm>>, %arg7: memref<80x125xi32, #tpu.memory_space<vmem>>, %arg8: memref<80x125xi32, #tpu.memory_space<vmem>>, %arg9: memref<125x128xf32, #tpu.memory_space<vmem>>, %arg10: memref<10000x128xf32, #tpu.memory_space<vmem_shared>>, %arg11: memref<!tpu.dma_semaphore, #tpu.memory_space<semaphore_mem>>) attributes {dimension_semantics = [#tpu.dimension_semantics<core_parallel>, #tpu.dimension_semantics<subcore_parallel>], iteration_bounds = array<i64: 2, 16>, scalar_prefetch = 0 : i64, scratch_operands = 5 : i64, tpu.core_type = #tpu.core_type<sc_vector_subcore>, window_params = [{transform_indices = #map}, {transform_indices = #map1}, {transform_indices = #map1}, {transform_indices = #map}, {transform_indices = #map2}]} {
    %mul3A = arith.constant 16 : i32
    %mul3A_0 = arith.muli %arg0, %mul3A : i32
    %add3A = arith.addi %mul3A_0, %arg1 : i32
    "tpu.region"() ({
      %run_scoped3A = tpu.sem_alloc : memref<!tpu.dma_semaphore, #tpu.memory_space<semaphore_mem>>
      %dma_start3A = arith.constant 0 : i32
      %dma_start3A_11 = arith.constant 0 : i32
      %dma_start3A_12 = tpu.memref_slice %arg3[%add3A, %dma_start3A, %dma_start3A_11] : memref<32x80x125xi32, #tpu.memory_space<hbm>> -> memref<1x80x125xi32, #tpu.memory_space<hbm>>
      %dma_start3A_13 = tpu.memref_squeeze %dma_start3A_12 : memref<1x80x125xi32, #tpu.memory_space<hbm>> -> memref<80x125xi32, #tpu.memory_space<hbm>>
      %dma_start3A_14 = arith.constant 0 : i32
      %dma_start3A_15 = arith.constant 0 : i32
      %dma_start3A_16 = tpu.memref_slice %arg3[%add3A, %dma_start3A_14, %dma_start3A_15] : memref<32x80x125xi32, #tpu.memory_space<hbm>> -> memref<1x80x125xi32, #tpu.memory_space<hbm>>
      %dma_start3A_17 = tpu.memref_squeeze %dma_start3A_16 : memref<1x80x125xi32, #tpu.memory_space<hbm>> -> memref<80x125xi32, #tpu.memory_space<hbm>>
      tpu.enqueue_dma source(%dma_start3A_17 : memref<80x125xi32, #tpu.memory_space<hbm>>) target(%arg7 : memref<80x125xi32, #tpu.memory_space<vmem>>) target_semaphore(%run_scoped3A : memref<!tpu.dma_semaphore, #tpu.memory_space<semaphore_mem>>)
      %dma_wait3A = arith.constant 0 : i32
      %dma_wait3A_18 = arith.constant 0 : i32
      %dma_wait3A_19 = tpu.memref_slice %arg3[%add3A, %dma_wait3A, %dma_wait3A_18] : memref<32x80x125xi32, #tpu.memory_space<hbm>> -> memref<1x80x125xi32, #tpu.memory_space<hbm>>
      %dma_wait3A_20 = tpu.memref_squeeze %dma_wait3A_19 : memref<1x80x125xi32, #tpu.memory_space<hbm>> -> memref<80x125xi32, #tpu.memory_space<hbm>>
      %dma_wait3A_21 = arith.constant 0 : i32
      %dma_wait3A_22 = arith.constant 0 : i32
      %dma_wait3A_23 = tpu.memref_slice %arg3[%add3A, %dma_wait3A_21, %dma_wait3A_22] : memref<32x80x125xi32, #tpu.memory_space<hbm>> -> memref<1x80x125xi32, #tpu.memory_space<hbm>>
      %dma_wait3A_24 = tpu.memref_squeeze %dma_wait3A_23 : memref<1x80x125xi32, #tpu.memory_space<hbm>> -> memref<80x125xi32, #tpu.memory_space<hbm>>
      tpu.wait_dma2 semaphore(%run_scoped3A : memref<!tpu.dma_semaphore, #tpu.memory_space<semaphore_mem>>) src(%dma_wait3A_24 : memref<80x125xi32, #tpu.memory_space<hbm>>) dst(%arg7 : memref<80x125xi32, #tpu.memory_space<vmem>>)
      tpu.yield
    }) : () -> ()
    "tpu.region"() ({
      %run_scoped3A = tpu.sem_alloc : memref<!tpu.dma_semaphore, #tpu.memory_space<semaphore_mem>>
      %dma_start3A = arith.constant 0 : i32
      %dma_start3A_11 = arith.constant 0 : i32
      %dma_start3A_12 = tpu.memref_slice %arg4[%add3A, %dma_start3A, %dma_start3A_11] : memref<32x80x125xi32, #tpu.memory_space<hbm>> -> memref<1x80x125xi32, #tpu.memory_space<hbm>>
      %dma_start3A_13 = tpu.memref_squeeze %dma_start3A_12 : memref<1x80x125xi32, #tpu.memory_space<hbm>> -> memref<80x125xi32, #tpu.memory_space<hbm>>
      %dma_start3A_14 = arith.constant 0 : i32
      %dma_start3A_15 = arith.constant 0 : i32
      %dma_start3A_16 = tpu.memref_slice %arg4[%add3A, %dma_start3A_14, %dma_start3A_15] : memref<32x80x125xi32, #tpu.memory_space<hbm>> -> memref<1x80x125xi32, #tpu.memory_space<hbm>>
      %dma_start3A_17 = tpu.memref_squeeze %dma_start3A_16 : memref<1x80x125xi32, #tpu.memory_space<hbm>> -> memref<80x125xi32, #tpu.memory_space<hbm>>
      tpu.enqueue_dma source(%dma_start3A_17 : memref<80x125xi32, #tpu.memory_space<hbm>>) target(%arg8 : memref<80x125xi32, #tpu.memory_space<vmem>>) target_semaphore(%run_scoped3A : memref<!tpu.dma_semaphore, #tpu.memory_space<semaphore_mem>>)
      %dma_wait3A = arith.constant 0 : i32
      %dma_wait3A_18 = arith.constant 0 : i32
      %dma_wait3A_19 = tpu.memref_slice %arg4[%add3A, %dma_wait3A, %dma_wait3A_18] : memref<32x80x125xi32, #tpu.memory_space<hbm>> -> memref<1x80x125xi32, #tpu.memory_space<hbm>>
      %dma_wait3A_20 = tpu.memref_squeeze %dma_wait3A_19 : memref<1x80x125xi32, #tpu.memory_space<hbm>> -> memref<80x125xi32, #tpu.memory_space<hbm>>
      %dma_wait3A_21 = arith.constant 0 : i32
      %dma_wait3A_22 = arith.constant 0 : i32
      %dma_wait3A_23 = tpu.memref_slice %arg4[%add3A, %dma_wait3A_21, %dma_wait3A_22] : memref<32x80x125xi32, #tpu.memory_space<hbm>> -> memref<1x80x125xi32, #tpu.memory_space<hbm>>
      %dma_wait3A_24 = tpu.memref_squeeze %dma_wait3A_23 : memref<1x80x125xi32, #tpu.memory_space<hbm>> -> memref<80x125xi32, #tpu.memory_space<hbm>>
      tpu.wait_dma2 semaphore(%run_scoped3A : memref<!tpu.dma_semaphore, #tpu.memory_space<semaphore_mem>>) src(%dma_wait3A_24 : memref<80x125xi32, #tpu.memory_space<hbm>>) dst(%arg8 : memref<80x125xi32, #tpu.memory_space<vmem>>)
      tpu.yield
    }) : () -> ()
    %mul3A_1 = arith.constant 625 : i32
    %mul3A_2 = arith.muli %arg1, %mul3A_1 : i32
    "tpu.region"() ({
      %run_scoped3A = tpu.sem_alloc : memref<!tpu.dma_semaphore, #tpu.memory_space<semaphore_mem>>
      %dma_start3A = arith.constant 0 : i32
      %dma_start3A_11 = tpu.memref_slice %arg10[%mul3A_2, %dma_start3A] : memref<10000x128xf32, #tpu.memory_space<vmem_shared>> -> memref<625x128xf32, #tpu.memory_space<vmem_shared>>
      tpu.enqueue_dma source(%arg5 : memref<625x128xf32, #tpu.memory_space<hbm>>) target(%dma_start3A_11 : memref<625x128xf32, #tpu.memory_space<vmem_shared>>) target_semaphore(%run_scoped3A : memref<!tpu.dma_semaphore, #tpu.memory_space<semaphore_mem>>)
      %dma_wait3A = arith.constant 0 : i32
      %dma_wait3A_12 = tpu.memref_slice %arg10[%mul3A_2, %dma_wait3A] : memref<10000x128xf32, #tpu.memory_space<vmem_shared>> -> memref<625x128xf32, #tpu.memory_space<vmem_shared>>
      tpu.wait_dma2 semaphore(%run_scoped3A : memref<!tpu.dma_semaphore, #tpu.memory_space<semaphore_mem>>) src(%arg5 : memref<625x128xf32, #tpu.memory_space<hbm>>) dst(%dma_wait3A_12 : memref<625x128xf32, #tpu.memory_space<vmem_shared>>)
      tpu.yield
    }) : () -> ()
    %barrier3A = arith.constant 0 : index
    tpu.barrier barrier_id(%barrier3A)
    %scan3A = arith.constant 0 : i32
    %scan3A_3 = arith.constant 0 : i32
    %scan3A_4 = arith.constant 80 : i32
    %scan3A_5 = arith.addi %scan3A_3, %scan3A_4 : i32
    %scan3A_6 = arith.constant 1 : i32
    scf.for %scan3A_11 = %scan3A_3 to %scan3A_5 step %scan3A_6  : i32 {
      %dma_start3A = arith.constant 0 : i32
      %dma_start3A_12 = tpu.memref_slice %arg7[%scan3A_11, %dma_start3A] : memref<80x125xi32, #tpu.memory_space<vmem>> -> memref<1x125xi32, #tpu.memory_space<vmem>>
      %dma_start3A_13 = tpu.memref_squeeze %dma_start3A_12 : memref<1x125xi32, #tpu.memory_space<vmem>> -> memref<125xi32, #tpu.memory_space<vmem>>
      %dma_start3A_14 = arith.constant 0 : i32
      %dma_start3A_15 = arith.constant 0 : i32
      %dma_start3A_16 = tpu.memref_slice %arg2[%dma_start3A_14, %dma_start3A_15] : memref<10000x128xf32, #tpu.memory_space<hbm>> -> memref<10000x128xf32, #tpu.memory_space<hbm>>
      tpu.enqueue_indirect_dma source(%dma_start3A_16 : memref<10000x128xf32, #tpu.memory_space<hbm>>) target(%arg9 : memref<125x128xf32, #tpu.memory_space<vmem>>) offsets(%dma_start3A_13 : memref<125xi32, #tpu.memory_space<vmem>>) semaphore(%arg11 : memref<!tpu.dma_semaphore, #tpu.memory_space<semaphore_mem>>)
      %dma_wait3A = arith.constant 0 : i32
      %dma_wait3A_17 = tpu.memref_slice %arg7[%scan3A_11, %dma_wait3A] : memref<80x125xi32, #tpu.memory_space<vmem>> -> memref<1x125xi32, #tpu.memory_space<vmem>>
      %dma_wait3A_18 = tpu.memref_squeeze %dma_wait3A_17 : memref<1x125xi32, #tpu.memory_space<vmem>> -> memref<125xi32, #tpu.memory_space<vmem>>
      %dma_wait3A_19 = arith.constant 0 : i32
      %dma_wait3A_20 = arith.constant 0 : i32
      %dma_wait3A_21 = tpu.memref_slice %arg2[%dma_wait3A_19, %dma_wait3A_20] : memref<10000x128xf32, #tpu.memory_space<hbm>> -> memref<10000x128xf32, #tpu.memory_space<hbm>>
      tpu.wait_indirect_dma semaphore(%arg11 : memref<!tpu.dma_semaphore, #tpu.memory_space<semaphore_mem>>) src(%dma_wait3A_21 : memref<10000x128xf32, #tpu.memory_space<hbm>>) dst(%arg9 : memref<125x128xf32, #tpu.memory_space<vmem>>)
      "tpu.region"() ({
        %run_scoped3A = tpu.sem_alloc : memref<!tpu.dma_semaphore, #tpu.memory_space<semaphore_mem>>
        %dma_start3A_22 = arith.constant 0 : i32
        %dma_start3A_23 = tpu.memref_slice %arg8[%scan3A_11, %dma_start3A_22] : memref<80x125xi32, #tpu.memory_space<vmem>> -> memref<1x125xi32, #tpu.memory_space<vmem>>
        %dma_start3A_24 = tpu.memref_squeeze %dma_start3A_23 : memref<1x125xi32, #tpu.memory_space<vmem>> -> memref<125xi32, #tpu.memory_space<vmem>>
        %dma_start3A_25 = arith.constant 0 : i32
        %dma_start3A_26 = arith.constant 0 : i32
        %dma_start3A_27 = tpu.memref_slice %arg10[%dma_start3A_25, %dma_start3A_26] : memref<10000x128xf32, #tpu.memory_space<vmem_shared>> -> memref<10000x128xf32, #tpu.memory_space<vmem_shared>>
        tpu.enqueue_indirect_dma source(%arg9 : memref<125x128xf32, #tpu.memory_space<vmem>>) target(%dma_start3A_27 : memref<10000x128xf32, #tpu.memory_space<vmem_shared>>) offsets(%dma_start3A_24 : memref<125xi32, #tpu.memory_space<vmem>>) semaphore(%run_scoped3A : memref<!tpu.dma_semaphore, #tpu.memory_space<semaphore_mem>>) {add = true}
        %dma_wait3A_28 = arith.constant 0 : i32
        %dma_wait3A_29 = tpu.memref_slice %arg8[%scan3A_11, %dma_wait3A_28] : memref<80x125xi32, #tpu.memory_space<vmem>> -> memref<1x125xi32, #tpu.memory_space<vmem>>
        %dma_wait3A_30 = tpu.memref_squeeze %dma_wait3A_29 : memref<1x125xi32, #tpu.memory_space<vmem>> -> memref<125xi32, #tpu.memory_space<vmem>>
        %dma_wait3A_31 = arith.constant 0 : i32
        %dma_wait3A_32 = arith.constant 0 : i32
        %dma_wait3A_33 = tpu.memref_slice %arg10[%dma_wait3A_31, %dma_wait3A_32] : memref<10000x128xf32, #tpu.memory_space<vmem_shared>> -> memref<10000x128xf32, #tpu.memory_space<vmem_shared>>
        tpu.wait_indirect_dma semaphore(%run_scoped3A : memref<!tpu.dma_semaphore, #tpu.memory_space<semaphore_mem>>) src(%arg9 : memref<125x128xf32, #tpu.memory_space<vmem>>) dst(%dma_wait3A_33 : memref<10000x128xf32, #tpu.memory_space<vmem_shared>>)
        tpu.yield
      }) : () -> ()
    }
    %scan3A_7 = arith.constant 80 : i32
    %barrier3A_8 = arith.constant 0 : index
    tpu.barrier barrier_id(%barrier3A_8)
    %mul3A_9 = arith.constant 625 : i32
    %mul3A_10 = arith.muli %arg1, %mul3A_9 : i32
    "tpu.region"() ({
      %run_scoped3A = tpu.sem_alloc : memref<!tpu.dma_semaphore, #tpu.memory_space<semaphore_mem>>
      %dma_start3A = arith.constant 0 : i32
      %dma_start3A_11 = arith.constant 0 : i32
      %dma_start3A_12 = tpu.memref_slice %arg6[%arg0, %arg1, %dma_start3A, %dma_start3A_11] : memref<2x16x625x128xf32, #tpu.memory_space<hbm>> -> memref<1x1x625x128xf32, #tpu.memory_space<hbm>>
      %dma_start3A_13 = tpu.memref_squeeze %dma_start3A_12 : memref<1x1x625x128xf32, #tpu.memory_space<hbm>> -> memref<625x128xf32, #tpu.memory_space<hbm>>
      %dma_start3A_14 = arith.constant 0 : i32
      %dma_start3A_15 = tpu.memref_slice %arg10[%mul3A_10, %dma_start3A_14] : memref<10000x128xf32, #tpu.memory_space<vmem_shared>> -> memref<625x128xf32, #tpu.memory_space<vmem_shared>>
      tpu.enqueue_dma source(%dma_start3A_15 : memref<625x128xf32, #tpu.memory_space<vmem_shared>>) target(%dma_start3A_13 : memref<625x128xf32, #tpu.memory_space<hbm>>) target_semaphore(%run_scoped3A : memref<!tpu.dma_semaphore, #tpu.memory_space<semaphore_mem>>)
      %dma_wait3A = arith.constant 0 : i32
      %dma_wait3A_16 = arith.constant 0 : i32
      %dma_wait3A_17 = tpu.memref_slice %arg6[%arg0, %arg1, %dma_wait3A, %dma_wait3A_16] : memref<2x16x625x128xf32, #tpu.memory_space<hbm>> -> memref<1x1x625x128xf32, #tpu.memory_space<hbm>>
      %dma_wait3A_18 = tpu.memref_squeeze %dma_wait3A_17 : memref<1x1x625x128xf32, #tpu.memory_space<hbm>> -> memref<625x128xf32, #tpu.memory_space<hbm>>
      %dma_wait3A_19 = arith.constant 0 : i32
      %dma_wait3A_20 = tpu.memref_slice %arg10[%mul3A_10, %dma_wait3A_19] : memref<10000x128xf32, #tpu.memory_space<vmem_shared>> -> memref<625x128xf32, #tpu.memory_space<vmem_shared>>
      tpu.wait_dma2 semaphore(%run_scoped3A : memref<!tpu.dma_semaphore, #tpu.memory_space<semaphore_mem>>) src(%dma_wait3A_20 : memref<625x128xf32, #tpu.memory_space<vmem_shared>>) dst(%dma_wait3A_18 : memref<625x128xf32, #tpu.memory_space<hbm>>)
      tpu.yield
    }) : () -> ()
    return
  }
}

#map = affine_map<(d0, d1) -> (0, 0)>
#map1 = affine_map<(d0, d1) -> (0, 0, 0)>
#map2 = affine_map<(d0, d1) -> (0, 0, 0, 0)>
module attributes {stable_mosaic.version = 14 : i64} {
  func.func @sc_agg(%arg0: i32, %arg1: i32, %arg2: memref<10000x128xf32, #tpu.memory_space<hbm>>, %arg3: memref<32x80x125xi32, #tpu.memory_space<hbm>>, %arg4: memref<32x80x125xi32, #tpu.memory_space<hbm>>, %arg5: memref<625x128xf32, #tpu.memory_space<hbm>>, %arg6: memref<2x16x625x128xf32, #tpu.memory_space<hbm>>, %arg7: memref<80x125xi32, #tpu.memory_space<vmem>>, %arg8: memref<80x125xi32, #tpu.memory_space<vmem>>, %arg9: memref<125x128xf32, #tpu.memory_space<vmem>>, %arg10: memref<10000x128xf32, #tpu.memory_space<vmem_shared>>, %arg11: memref<!tpu.dma_semaphore, #tpu.memory_space<semaphore_mem>>) attributes {dimension_semantics = [#tpu.dimension_semantics<core_parallel>, #tpu.dimension_semantics<subcore_parallel>], iteration_bounds = array<i64: 2, 16>, scalar_prefetch = 0 : i64, scratch_operands = 5 : i64, tpu.core_type = #tpu.core_type<sc_vector_subcore>, window_params = [{transform_indices = #map}, {transform_indices = #map1}, {transform_indices = #map1}, {transform_indices = #map}, {transform_indices = #map2}]} {
    %mul3A = arith.constant 16 : i32
    %mul3A_0 = arith.muli %arg0, %mul3A : i32
    %add3A = arith.addi %mul3A_0, %arg1 : i32
    "tpu.region"() ({
      %run_scoped3A = tpu.sem_alloc : memref<!tpu.dma_semaphore, #tpu.memory_space<semaphore_mem>>
      %dma_start3A = arith.constant 0 : i32
      %dma_start3A_11 = arith.constant 0 : i32
      %dma_start3A_12 = tpu.memref_slice %arg3[%add3A, %dma_start3A, %dma_start3A_11] : memref<32x80x125xi32, #tpu.memory_space<hbm>> -> memref<1x80x125xi32, #tpu.memory_space<hbm>>
      %dma_start3A_13 = tpu.memref_squeeze %dma_start3A_12 : memref<1x80x125xi32, #tpu.memory_space<hbm>> -> memref<80x125xi32, #tpu.memory_space<hbm>>
      %dma_start3A_14 = arith.constant 0 : i32
      %dma_start3A_15 = arith.constant 0 : i32
      %dma_start3A_16 = tpu.memref_slice %arg3[%add3A, %dma_start3A_14, %dma_start3A_15] : memref<32x80x125xi32, #tpu.memory_space<hbm>> -> memref<1x80x125xi32, #tpu.memory_space<hbm>>
      %dma_start3A_17 = tpu.memref_squeeze %dma_start3A_16 : memref<1x80x125xi32, #tpu.memory_space<hbm>> -> memref<80x125xi32, #tpu.memory_space<hbm>>
      tpu.enqueue_dma source(%dma_start3A_17 : memref<80x125xi32, #tpu.memory_space<hbm>>) target(%arg7 : memref<80x125xi32, #tpu.memory_space<vmem>>) target_semaphore(%run_scoped3A : memref<!tpu.dma_semaphore, #tpu.memory_space<semaphore_mem>>)
      %dma_wait3A = arith.constant 0 : i32
      %dma_wait3A_18 = arith.constant 0 : i32
      %dma_wait3A_19 = tpu.memref_slice %arg3[%add3A, %dma_wait3A, %dma_wait3A_18] : memref<32x80x125xi32, #tpu.memory_space<hbm>> -> memref<1x80x125xi32, #tpu.memory_space<hbm>>
      %dma_wait3A_20 = tpu.memref_squeeze %dma_wait3A_19 : memref<1x80x125xi32, #tpu.memory_space<hbm>> -> memref<80x125xi32, #tpu.memory_space<hbm>>
      %dma_wait3A_21 = arith.constant 0 : i32
      %dma_wait3A_22 = arith.constant 0 : i32
      %dma_wait3A_23 = tpu.memref_slice %arg3[%add3A, %dma_wait3A_21, %dma_wait3A_22] : memref<32x80x125xi32, #tpu.memory_space<hbm>> -> memref<1x80x125xi32, #tpu.memory_space<hbm>>
      %dma_wait3A_24 = tpu.memref_squeeze %dma_wait3A_23 : memref<1x80x125xi32, #tpu.memory_space<hbm>> -> memref<80x125xi32, #tpu.memory_space<hbm>>
      tpu.wait_dma2 semaphore(%run_scoped3A : memref<!tpu.dma_semaphore, #tpu.memory_space<semaphore_mem>>) src(%dma_wait3A_24 : memref<80x125xi32, #tpu.memory_space<hbm>>) dst(%arg7 : memref<80x125xi32, #tpu.memory_space<vmem>>)
      tpu.yield
    }) : () -> ()
    "tpu.region"() ({
      %run_scoped3A = tpu.sem_alloc : memref<!tpu.dma_semaphore, #tpu.memory_space<semaphore_mem>>
      %dma_start3A = arith.constant 0 : i32
      %dma_start3A_11 = arith.constant 0 : i32
      %dma_start3A_12 = tpu.memref_slice %arg4[%add3A, %dma_start3A, %dma_start3A_11] : memref<32x80x125xi32, #tpu.memory_space<hbm>> -> memref<1x80x125xi32, #tpu.memory_space<hbm>>
      %dma_start3A_13 = tpu.memref_squeeze %dma_start3A_12 : memref<1x80x125xi32, #tpu.memory_space<hbm>> -> memref<80x125xi32, #tpu.memory_space<hbm>>
      %dma_start3A_14 = arith.constant 0 : i32
      %dma_start3A_15 = arith.constant 0 : i32
      %dma_start3A_16 = tpu.memref_slice %arg4[%add3A, %dma_start3A_14, %dma_start3A_15] : memref<32x80x125xi32, #tpu.memory_space<hbm>> -> memref<1x80x125xi32, #tpu.memory_space<hbm>>
      %dma_start3A_17 = tpu.memref_squeeze %dma_start3A_16 : memref<1x80x125xi32, #tpu.memory_space<hbm>> -> memref<80x125xi32, #tpu.memory_space<hbm>>
      tpu.enqueue_dma source(%dma_start3A_17 : memref<80x125xi32, #tpu.memory_space<hbm>>) target(%arg8 : memref<80x125xi32, #tpu.memory_space<vmem>>) target_semaphore(%run_scoped3A : memref<!tpu.dma_semaphore, #tpu.memory_space<semaphore_mem>>)
      %dma_wait3A = arith.constant 0 : i32
      %dma_wait3A_18 = arith.constant 0 : i32
      %dma_wait3A_19 = tpu.memref_slice %arg4[%add3A, %dma_wait3A, %dma_wait3A_18] : memref<32x80x125xi32, #tpu.memory_space<hbm>> -> memref<1x80x125xi32, #tpu.memory_space<hbm>>
      %dma_wait3A_20 = tpu.memref_squeeze %dma_wait3A_19 : memref<1x80x125xi32, #tpu.memory_space<hbm>> -> memref<80x125xi32, #tpu.memory_space<hbm>>
      %dma_wait3A_21 = arith.constant 0 : i32
      %dma_wait3A_22 = arith.constant 0 : i32
      %dma_wait3A_23 = tpu.memref_slice %arg4[%add3A, %dma_wait3A_21, %dma_wait3A_22] : memref<32x80x125xi32, #tpu.memory_space<hbm>> -> memref<1x80x125xi32, #tpu.memory_space<hbm>>
      %dma_wait3A_24 = tpu.memref_squeeze %dma_wait3A_23 : memref<1x80x125xi32, #tpu.memory_space<hbm>> -> memref<80x125xi32, #tpu.memory_space<hbm>>
      tpu.wait_dma2 semaphore(%run_scoped3A : memref<!tpu.dma_semaphore, #tpu.memory_space<semaphore_mem>>) src(%dma_wait3A_24 : memref<80x125xi32, #tpu.memory_space<hbm>>) dst(%arg8 : memref<80x125xi32, #tpu.memory_space<vmem>>)
      tpu.yield
    }) : () -> ()
    %mul3A_1 = arith.constant 625 : i32
    %mul3A_2 = arith.muli %arg1, %mul3A_1 : i32
    "tpu.region"() ({
      %run_scoped3A = tpu.sem_alloc : memref<!tpu.dma_semaphore, #tpu.memory_space<semaphore_mem>>
      %dma_start3A = arith.constant 0 : i32
      %dma_start3A_11 = tpu.memref_slice %arg10[%mul3A_2, %dma_start3A] : memref<10000x128xf32, #tpu.memory_space<vmem_shared>> -> memref<625x128xf32, #tpu.memory_space<vmem_shared>>
      tpu.enqueue_dma source(%arg5 : memref<625x128xf32, #tpu.memory_space<hbm>>) target(%dma_start3A_11 : memref<625x128xf32, #tpu.memory_space<vmem_shared>>) target_semaphore(%run_scoped3A : memref<!tpu.dma_semaphore, #tpu.memory_space<semaphore_mem>>)
      %dma_wait3A = arith.constant 0 : i32
      %dma_wait3A_12 = tpu.memref_slice %arg10[%mul3A_2, %dma_wait3A] : memref<10000x128xf32, #tpu.memory_space<vmem_shared>> -> memref<625x128xf32, #tpu.memory_space<vmem_shared>>
      tpu.wait_dma2 semaphore(%run_scoped3A : memref<!tpu.dma_semaphore, #tpu.memory_space<semaphore_mem>>) src(%arg5 : memref<625x128xf32, #tpu.memory_space<hbm>>) dst(%dma_wait3A_12 : memref<625x128xf32, #tpu.memory_space<vmem_shared>>)
      tpu.yield
    }) : () -> ()
    %barrier3A = arith.constant 0 : index
    tpu.barrier barrier_id(%barrier3A)
    %scan3A = arith.constant 0 : i32
    %scan3A_3 = arith.constant 0 : i32
    %scan3A_4 = arith.constant 80 : i32
    %scan3A_5 = arith.addi %scan3A_3, %scan3A_4 : i32
    %scan3A_6 = arith.constant 1 : i32
    scf.for %scan3A_11 = %scan3A_3 to %scan3A_5 step %scan3A_6  : i32 {
      %dma_start3A = arith.constant 0 : i32
      %dma_start3A_12 = tpu.memref_slice %arg7[%scan3A_11, %dma_start3A] : memref<80x125xi32, #tpu.memory_space<vmem>> -> memref<1x125xi32, #tpu.memory_space<vmem>>
      %dma_start3A_13 = tpu.memref_squeeze %dma_start3A_12 : memref<1x125xi32, #tpu.memory_space<vmem>> -> memref<125xi32, #tpu.memory_space<vmem>>
      %dma_start3A_14 = arith.constant 0 : i32
      %dma_start3A_15 = arith.constant 0 : i32
      %dma_start3A_16 = tpu.memref_slice %arg2[%dma_start3A_14, %dma_start3A_15] : memref<10000x128xf32, #tpu.memory_space<hbm>> -> memref<10000x128xf32, #tpu.memory_space<hbm>>
      tpu.enqueue_indirect_dma source(%dma_start3A_16 : memref<10000x128xf32, #tpu.memory_space<hbm>>) target(%arg9 : memref<125x128xf32, #tpu.memory_space<vmem>>) offsets(%dma_start3A_13 : memref<125xi32, #tpu.memory_space<vmem>>) semaphore(%arg11 : memref<!tpu.dma_semaphore, #tpu.memory_space<semaphore_mem>>)
      %dma_wait3A = arith.constant 0 : i32
      %dma_wait3A_17 = tpu.memref_slice %arg7[%scan3A_11, %dma_wait3A] : memref<80x125xi32, #tpu.memory_space<vmem>> -> memref<1x125xi32, #tpu.memory_space<vmem>>
      %dma_wait3A_18 = tpu.memref_squeeze %dma_wait3A_17 : memref<1x125xi32, #tpu.memory_space<vmem>> -> memref<125xi32, #tpu.memory_space<vmem>>
      %dma_wait3A_19 = arith.constant 0 : i32
      %dma_wait3A_20 = arith.constant 0 : i32
      %dma_wait3A_21 = tpu.memref_slice %arg2[%dma_wait3A_19, %dma_wait3A_20] : memref<10000x128xf32, #tpu.memory_space<hbm>> -> memref<10000x128xf32, #tpu.memory_space<hbm>>
      tpu.wait_indirect_dma semaphore(%arg11 : memref<!tpu.dma_semaphore, #tpu.memory_space<semaphore_mem>>) src(%dma_wait3A_21 : memref<10000x128xf32, #tpu.memory_space<hbm>>) dst(%arg9 : memref<125x128xf32, #tpu.memory_space<vmem>>)
      "tpu.region"() ({
        %run_scoped3A = tpu.sem_alloc : memref<!tpu.dma_semaphore, #tpu.memory_space<semaphore_mem>>
        %dma_start3A_22 = arith.constant 0 : i32
        %dma_start3A_23 = tpu.memref_slice %arg8[%scan3A_11, %dma_start3A_22] : memref<80x125xi32, #tpu.memory_space<vmem>> -> memref<1x125xi32, #tpu.memory_space<vmem>>
        %dma_start3A_24 = tpu.memref_squeeze %dma_start3A_23 : memref<1x125xi32, #tpu.memory_space<vmem>> -> memref<125xi32, #tpu.memory_space<vmem>>
        %dma_start3A_25 = arith.constant 0 : i32
        %dma_start3A_26 = arith.constant 0 : i32
        %dma_start3A_27 = tpu.memref_slice %arg10[%dma_start3A_25, %dma_start3A_26] : memref<10000x128xf32, #tpu.memory_space<vmem_shared>> -> memref<10000x128xf32, #tpu.memory_space<vmem_shared>>
        tpu.enqueue_indirect_dma source(%arg9 : memref<125x128xf32, #tpu.memory_space<vmem>>) target(%dma_start3A_27 : memref<10000x128xf32, #tpu.memory_space<vmem_shared>>) offsets(%dma_start3A_24 : memref<125xi32, #tpu.memory_space<vmem>>) semaphore(%run_scoped3A : memref<!tpu.dma_semaphore, #tpu.memory_space<semaphore_mem>>) {add = true}
        %dma_wait3A_28 = arith.constant 0 : i32
        %dma_wait3A_29 = tpu.memref_slice %arg8[%scan3A_11, %dma_wait3A_28] : memref<80x125xi32, #tpu.memory_space<vmem>> -> memref<1x125xi32, #tpu.memory_space<vmem>>
        %dma_wait3A_30 = tpu.memref_squeeze %dma_wait3A_29 : memref<1x125xi32, #tpu.memory_space<vmem>> -> memref<125xi32, #tpu.memory_space<vmem>>
        %dma_wait3A_31 = arith.constant 0 : i32
        %dma_wait3A_32 = arith.constant 0 : i32
        %dma_wait3A_33 = tpu.memref_slice %arg10[%dma_wait3A_31, %dma_wait3A_32] : memref<10000x128xf32, #tpu.memory_space<vmem_shared>> -> memref<10000x128xf32, #tpu.memory_space<vmem_shared>>
        tpu.wait_indirect_dma semaphore(%run_scoped3A : memref<!tpu.dma_semaphore, #tpu.memory_space<semaphore_mem>>) src(%arg9 : memref<125x128xf32, #tpu.memory_space<vmem>>) dst(%dma_wait3A_33 : memref<10000x128xf32, #tpu.memory_space<vmem_shared>>)
        tpu.yield
      }) : () -> ()
    }
    %scan3A_7 = arith.constant 80 : i32
    %barrier3A_8 = arith.constant 0 : index
    tpu.barrier barrier_id(%barrier3A_8)
    %mul3A_9 = arith.constant 625 : i32
    %mul3A_10 = arith.muli %arg1, %mul3A_9 : i32
    "tpu.region"() ({
      %run_scoped3A = tpu.sem_alloc : memref<!tpu.dma_semaphore, #tpu.memory_space<semaphore_mem>>
      %dma_start3A = arith.constant 0 : i32
      %dma_start3A_11 = arith.constant 0 : i32
      %dma_start3A_12 = tpu.memref_slice %arg6[%arg0, %arg1, %dma_start3A, %dma_start3A_11] : memref<2x16x625x128xf32, #tpu.memory_space<hbm>> -> memref<1x1x625x128xf32, #tpu.memory_space<hbm>>
      %dma_start3A_13 = tpu.memref_squeeze %dma_start3A_12 : memref<1x1x625x128xf32, #tpu.memory_space<hbm>> -> memref<625x128xf32, #tpu.memory_space<hbm>>
      %dma_start3A_14 = arith.constant 0 : i32
      %dma_start3A_15 = tpu.memref_slice %arg10[%mul3A_10, %dma_start3A_14] : memref<10000x128xf32, #tpu.memory_space<vmem_shared>> -> memref<625x128xf32, #tpu.memory_space<vmem_shared>>
      tpu.enqueue_dma source(%dma_start3A_15 : memref<625x128xf32, #tpu.memory_space<vmem_shared>>) target(%dma_start3A_13 : memref<625x128xf32, #tpu.memory_space<hbm>>) target_semaphore(%run_scoped3A : memref<!tpu.dma_semaphore, #tpu.memory_space<semaphore_mem>>)
      %dma_wait3A = arith.constant 0 : i32
      %dma_wait3A_16 = arith.constant 0 : i32
      %dma_wait3A_17 = tpu.memref_slice %arg6[%arg0, %arg1, %dma_wait3A, %dma_wait3A_16] : memref<2x16x625x128xf32, #tpu.memory_space<hbm>> -> memref<1x1x625x128xf32, #tpu.memory_space<hbm>>
      %dma_wait3A_18 = tpu.memref_squeeze %dma_wait3A_17 : memref<1x1x625x128xf32, #tpu.memory_space<hbm>> -> memref<625x128xf32, #tpu.memory_space<hbm>>
      %dma_wait3A_19 = arith.constant 0 : i32
      %dma_wait3A_20 = tpu.memref_slice %arg10[%mul3A_10, %dma_wait3A_19] : memref<10000x128xf32, #tpu.memory_space<vmem_shared>> -> memref<625x128xf32, #tpu.memory_space<vmem_shared>>
      tpu.wait_dma2 semaphore(%run_scoped3A : memref<!tpu.dma_semaphore, #tpu.memory_space<semaphore_mem>>) src(%dma_wait3A_20 : memref<625x128xf32, #tpu.memory_space<vmem_shared>>) dst(%dma_wait3A_18 : memref<625x128xf32, #tpu.memory_space<hbm>>)
      tpu.yield
    }) : () -> ()
    return
  }
}

#map = affine_map<(d0, d1) -> (0, 0)>
#map1 = affine_map<(d0, d1) -> (0, 0, 0)>
#map2 = affine_map<(d0, d1) -> (0, 0, 0, 0)>
module attributes {stable_mosaic.version = 14 : i64} {
  func.func @sc_agg(%arg0: i32, %arg1: i32, %arg2: memref<10000x128xf32, #tpu.memory_space<hbm>>, %arg3: memref<32x80x125xi32, #tpu.memory_space<hbm>>, %arg4: memref<32x80x125xi32, #tpu.memory_space<hbm>>, %arg5: memref<625x128xf32, #tpu.memory_space<hbm>>, %arg6: memref<2x16x625x128xf32, #tpu.memory_space<hbm>>, %arg7: memref<80x125xi32, #tpu.memory_space<vmem>>, %arg8: memref<80x125xi32, #tpu.memory_space<vmem>>, %arg9: memref<125x128xf32, #tpu.memory_space<vmem>>, %arg10: memref<10000x128xf32, #tpu.memory_space<vmem_shared>>, %arg11: memref<!tpu.dma_semaphore, #tpu.memory_space<semaphore_mem>>) attributes {dimension_semantics = [#tpu.dimension_semantics<core_parallel>, #tpu.dimension_semantics<subcore_parallel>], iteration_bounds = array<i64: 2, 16>, scalar_prefetch = 0 : i64, scratch_operands = 5 : i64, tpu.core_type = #tpu.core_type<sc_vector_subcore>, window_params = [{transform_indices = #map}, {transform_indices = #map1}, {transform_indices = #map1}, {transform_indices = #map}, {transform_indices = #map2}]} {
    %mul3A = arith.constant 16 : i32
    %mul3A_0 = arith.muli %arg0, %mul3A : i32
    %add3A = arith.addi %mul3A_0, %arg1 : i32
    "tpu.region"() ({
      %run_scoped3A = tpu.sem_alloc : memref<!tpu.dma_semaphore, #tpu.memory_space<semaphore_mem>>
      %dma_start3A = arith.constant 0 : i32
      %dma_start3A_11 = arith.constant 0 : i32
      %dma_start3A_12 = tpu.memref_slice %arg3[%add3A, %dma_start3A, %dma_start3A_11] : memref<32x80x125xi32, #tpu.memory_space<hbm>> -> memref<1x80x125xi32, #tpu.memory_space<hbm>>
      %dma_start3A_13 = tpu.memref_squeeze %dma_start3A_12 : memref<1x80x125xi32, #tpu.memory_space<hbm>> -> memref<80x125xi32, #tpu.memory_space<hbm>>
      %dma_start3A_14 = arith.constant 0 : i32
      %dma_start3A_15 = arith.constant 0 : i32
      %dma_start3A_16 = tpu.memref_slice %arg3[%add3A, %dma_start3A_14, %dma_start3A_15] : memref<32x80x125xi32, #tpu.memory_space<hbm>> -> memref<1x80x125xi32, #tpu.memory_space<hbm>>
      %dma_start3A_17 = tpu.memref_squeeze %dma_start3A_16 : memref<1x80x125xi32, #tpu.memory_space<hbm>> -> memref<80x125xi32, #tpu.memory_space<hbm>>
      tpu.enqueue_dma source(%dma_start3A_17 : memref<80x125xi32, #tpu.memory_space<hbm>>) target(%arg7 : memref<80x125xi32, #tpu.memory_space<vmem>>) target_semaphore(%run_scoped3A : memref<!tpu.dma_semaphore, #tpu.memory_space<semaphore_mem>>)
      %dma_wait3A = arith.constant 0 : i32
      %dma_wait3A_18 = arith.constant 0 : i32
      %dma_wait3A_19 = tpu.memref_slice %arg3[%add3A, %dma_wait3A, %dma_wait3A_18] : memref<32x80x125xi32, #tpu.memory_space<hbm>> -> memref<1x80x125xi32, #tpu.memory_space<hbm>>
      %dma_wait3A_20 = tpu.memref_squeeze %dma_wait3A_19 : memref<1x80x125xi32, #tpu.memory_space<hbm>> -> memref<80x125xi32, #tpu.memory_space<hbm>>
      %dma_wait3A_21 = arith.constant 0 : i32
      %dma_wait3A_22 = arith.constant 0 : i32
      %dma_wait3A_23 = tpu.memref_slice %arg3[%add3A, %dma_wait3A_21, %dma_wait3A_22] : memref<32x80x125xi32, #tpu.memory_space<hbm>> -> memref<1x80x125xi32, #tpu.memory_space<hbm>>
      %dma_wait3A_24 = tpu.memref_squeeze %dma_wait3A_23 : memref<1x80x125xi32, #tpu.memory_space<hbm>> -> memref<80x125xi32, #tpu.memory_space<hbm>>
      tpu.wait_dma2 semaphore(%run_scoped3A : memref<!tpu.dma_semaphore, #tpu.memory_space<semaphore_mem>>) src(%dma_wait3A_24 : memref<80x125xi32, #tpu.memory_space<hbm>>) dst(%arg7 : memref<80x125xi32, #tpu.memory_space<vmem>>)
      tpu.yield
    }) : () -> ()
    "tpu.region"() ({
      %run_scoped3A = tpu.sem_alloc : memref<!tpu.dma_semaphore, #tpu.memory_space<semaphore_mem>>
      %dma_start3A = arith.constant 0 : i32
      %dma_start3A_11 = arith.constant 0 : i32
      %dma_start3A_12 = tpu.memref_slice %arg4[%add3A, %dma_start3A, %dma_start3A_11] : memref<32x80x125xi32, #tpu.memory_space<hbm>> -> memref<1x80x125xi32, #tpu.memory_space<hbm>>
      %dma_start3A_13 = tpu.memref_squeeze %dma_start3A_12 : memref<1x80x125xi32, #tpu.memory_space<hbm>> -> memref<80x125xi32, #tpu.memory_space<hbm>>
      %dma_start3A_14 = arith.constant 0 : i32
      %dma_start3A_15 = arith.constant 0 : i32
      %dma_start3A_16 = tpu.memref_slice %arg4[%add3A, %dma_start3A_14, %dma_start3A_15] : memref<32x80x125xi32, #tpu.memory_space<hbm>> -> memref<1x80x125xi32, #tpu.memory_space<hbm>>
      %dma_start3A_17 = tpu.memref_squeeze %dma_start3A_16 : memref<1x80x125xi32, #tpu.memory_space<hbm>> -> memref<80x125xi32, #tpu.memory_space<hbm>>
      tpu.enqueue_dma source(%dma_start3A_17 : memref<80x125xi32, #tpu.memory_space<hbm>>) target(%arg8 : memref<80x125xi32, #tpu.memory_space<vmem>>) target_semaphore(%run_scoped3A : memref<!tpu.dma_semaphore, #tpu.memory_space<semaphore_mem>>)
      %dma_wait3A = arith.constant 0 : i32
      %dma_wait3A_18 = arith.constant 0 : i32
      %dma_wait3A_19 = tpu.memref_slice %arg4[%add3A, %dma_wait3A, %dma_wait3A_18] : memref<32x80x125xi32, #tpu.memory_space<hbm>> -> memref<1x80x125xi32, #tpu.memory_space<hbm>>
      %dma_wait3A_20 = tpu.memref_squeeze %dma_wait3A_19 : memref<1x80x125xi32, #tpu.memory_space<hbm>> -> memref<80x125xi32, #tpu.memory_space<hbm>>
      %dma_wait3A_21 = arith.constant 0 : i32
      %dma_wait3A_22 = arith.constant 0 : i32
      %dma_wait3A_23 = tpu.memref_slice %arg4[%add3A, %dma_wait3A_21, %dma_wait3A_22] : memref<32x80x125xi32, #tpu.memory_space<hbm>> -> memref<1x80x125xi32, #tpu.memory_space<hbm>>
      %dma_wait3A_24 = tpu.memref_squeeze %dma_wait3A_23 : memref<1x80x125xi32, #tpu.memory_space<hbm>> -> memref<80x125xi32, #tpu.memory_space<hbm>>
      tpu.wait_dma2 semaphore(%run_scoped3A : memref<!tpu.dma_semaphore, #tpu.memory_space<semaphore_mem>>) src(%dma_wait3A_24 : memref<80x125xi32, #tpu.memory_space<hbm>>) dst(%arg8 : memref<80x125xi32, #tpu.memory_space<vmem>>)
      tpu.yield
    }) : () -> ()
    %mul3A_1 = arith.constant 625 : i32
    %mul3A_2 = arith.muli %arg1, %mul3A_1 : i32
    "tpu.region"() ({
      %run_scoped3A = tpu.sem_alloc : memref<!tpu.dma_semaphore, #tpu.memory_space<semaphore_mem>>
      %dma_start3A = arith.constant 0 : i32
      %dma_start3A_11 = tpu.memref_slice %arg10[%mul3A_2, %dma_start3A] : memref<10000x128xf32, #tpu.memory_space<vmem_shared>> -> memref<625x128xf32, #tpu.memory_space<vmem_shared>>
      tpu.enqueue_dma source(%arg5 : memref<625x128xf32, #tpu.memory_space<hbm>>) target(%dma_start3A_11 : memref<625x128xf32, #tpu.memory_space<vmem_shared>>) target_semaphore(%run_scoped3A : memref<!tpu.dma_semaphore, #tpu.memory_space<semaphore_mem>>)
      %dma_wait3A = arith.constant 0 : i32
      %dma_wait3A_12 = tpu.memref_slice %arg10[%mul3A_2, %dma_wait3A] : memref<10000x128xf32, #tpu.memory_space<vmem_shared>> -> memref<625x128xf32, #tpu.memory_space<vmem_shared>>
      tpu.wait_dma2 semaphore(%run_scoped3A : memref<!tpu.dma_semaphore, #tpu.memory_space<semaphore_mem>>) src(%arg5 : memref<625x128xf32, #tpu.memory_space<hbm>>) dst(%dma_wait3A_12 : memref<625x128xf32, #tpu.memory_space<vmem_shared>>)
      tpu.yield
    }) : () -> ()
    %barrier3A = arith.constant 0 : index
    tpu.barrier barrier_id(%barrier3A)
    %scan3A = arith.constant 0 : i32
    %scan3A_3 = arith.constant 0 : i32
    %scan3A_4 = arith.constant 80 : i32
    %scan3A_5 = arith.addi %scan3A_3, %scan3A_4 : i32
    %scan3A_6 = arith.constant 1 : i32
    scf.for %scan3A_11 = %scan3A_3 to %scan3A_5 step %scan3A_6  : i32 {
      %dma_start3A = arith.constant 0 : i32
      %dma_start3A_12 = tpu.memref_slice %arg7[%scan3A_11, %dma_start3A] : memref<80x125xi32, #tpu.memory_space<vmem>> -> memref<1x125xi32, #tpu.memory_space<vmem>>
      %dma_start3A_13 = tpu.memref_squeeze %dma_start3A_12 : memref<1x125xi32, #tpu.memory_space<vmem>> -> memref<125xi32, #tpu.memory_space<vmem>>
      %dma_start3A_14 = arith.constant 0 : i32
      %dma_start3A_15 = arith.constant 0 : i32
      %dma_start3A_16 = tpu.memref_slice %arg2[%dma_start3A_14, %dma_start3A_15] : memref<10000x128xf32, #tpu.memory_space<hbm>> -> memref<10000x128xf32, #tpu.memory_space<hbm>>
      tpu.enqueue_indirect_dma source(%dma_start3A_16 : memref<10000x128xf32, #tpu.memory_space<hbm>>) target(%arg9 : memref<125x128xf32, #tpu.memory_space<vmem>>) offsets(%dma_start3A_13 : memref<125xi32, #tpu.memory_space<vmem>>) semaphore(%arg11 : memref<!tpu.dma_semaphore, #tpu.memory_space<semaphore_mem>>)
      %dma_wait3A = arith.constant 0 : i32
      %dma_wait3A_17 = tpu.memref_slice %arg7[%scan3A_11, %dma_wait3A] : memref<80x125xi32, #tpu.memory_space<vmem>> -> memref<1x125xi32, #tpu.memory_space<vmem>>
      %dma_wait3A_18 = tpu.memref_squeeze %dma_wait3A_17 : memref<1x125xi32, #tpu.memory_space<vmem>> -> memref<125xi32, #tpu.memory_space<vmem>>
      %dma_wait3A_19 = arith.constant 0 : i32
      %dma_wait3A_20 = arith.constant 0 : i32
      %dma_wait3A_21 = tpu.memref_slice %arg2[%dma_wait3A_19, %dma_wait3A_20] : memref<10000x128xf32, #tpu.memory_space<hbm>> -> memref<10000x128xf32, #tpu.memory_space<hbm>>
      tpu.wait_indirect_dma semaphore(%arg11 : memref<!tpu.dma_semaphore, #tpu.memory_space<semaphore_mem>>) src(%dma_wait3A_21 : memref<10000x128xf32, #tpu.memory_space<hbm>>) dst(%arg9 : memref<125x128xf32, #tpu.memory_space<vmem>>)
      "tpu.region"() ({
        %run_scoped3A = tpu.sem_alloc : memref<!tpu.dma_semaphore, #tpu.memory_space<semaphore_mem>>
        %dma_start3A_22 = arith.constant 0 : i32
        %dma_start3A_23 = tpu.memref_slice %arg8[%scan3A_11, %dma_start3A_22] : memref<80x125xi32, #tpu.memory_space<vmem>> -> memref<1x125xi32, #tpu.memory_space<vmem>>
        %dma_start3A_24 = tpu.memref_squeeze %dma_start3A_23 : memref<1x125xi32, #tpu.memory_space<vmem>> -> memref<125xi32, #tpu.memory_space<vmem>>
        %dma_start3A_25 = arith.constant 0 : i32
        %dma_start3A_26 = arith.constant 0 : i32
        %dma_start3A_27 = tpu.memref_slice %arg10[%dma_start3A_25, %dma_start3A_26] : memref<10000x128xf32, #tpu.memory_space<vmem_shared>> -> memref<10000x128xf32, #tpu.memory_space<vmem_shared>>
        tpu.enqueue_indirect_dma source(%arg9 : memref<125x128xf32, #tpu.memory_space<vmem>>) target(%dma_start3A_27 : memref<10000x128xf32, #tpu.memory_space<vmem_shared>>) offsets(%dma_start3A_24 : memref<125xi32, #tpu.memory_space<vmem>>) semaphore(%run_scoped3A : memref<!tpu.dma_semaphore, #tpu.memory_space<semaphore_mem>>) {add = true}
        %dma_wait3A_28 = arith.constant 0 : i32
        %dma_wait3A_29 = tpu.memref_slice %arg8[%scan3A_11, %dma_wait3A_28] : memref<80x125xi32, #tpu.memory_space<vmem>> -> memref<1x125xi32, #tpu.memory_space<vmem>>
        %dma_wait3A_30 = tpu.memref_squeeze %dma_wait3A_29 : memref<1x125xi32, #tpu.memory_space<vmem>> -> memref<125xi32, #tpu.memory_space<vmem>>
        %dma_wait3A_31 = arith.constant 0 : i32
        %dma_wait3A_32 = arith.constant 0 : i32
        %dma_wait3A_33 = tpu.memref_slice %arg10[%dma_wait3A_31, %dma_wait3A_32] : memref<10000x128xf32, #tpu.memory_space<vmem_shared>> -> memref<10000x128xf32, #tpu.memory_space<vmem_shared>>
        tpu.wait_indirect_dma semaphore(%run_scoped3A : memref<!tpu.dma_semaphore, #tpu.memory_space<semaphore_mem>>) src(%arg9 : memref<125x128xf32, #tpu.memory_space<vmem>>) dst(%dma_wait3A_33 : memref<10000x128xf32, #tpu.memory_space<vmem_shared>>)
        tpu.yield
      }) : () -> ()
    }
    %scan3A_7 = arith.constant 80 : i32
    %barrier3A_8 = arith.constant 0 : index
    tpu.barrier barrier_id(%barrier3A_8)
    %mul3A_9 = arith.constant 625 : i32
    %mul3A_10 = arith.muli %arg1, %mul3A_9 : i32
    "tpu.region"() ({
      %run_scoped3A = tpu.sem_alloc : memref<!tpu.dma_semaphore, #tpu.memory_space<semaphore_mem>>
      %dma_start3A = arith.constant 0 : i32
      %dma_start3A_11 = arith.constant 0 : i32
      %dma_start3A_12 = tpu.memref_slice %arg6[%arg0, %arg1, %dma_start3A, %dma_start3A_11] : memref<2x16x625x128xf32, #tpu.memory_space<hbm>> -> memref<1x1x625x128xf32, #tpu.memory_space<hbm>>
      %dma_start3A_13 = tpu.memref_squeeze %dma_start3A_12 : memref<1x1x625x128xf32, #tpu.memory_space<hbm>> -> memref<625x128xf32, #tpu.memory_space<hbm>>
      %dma_start3A_14 = arith.constant 0 : i32
      %dma_start3A_15 = tpu.memref_slice %arg10[%mul3A_10, %dma_start3A_14] : memref<10000x128xf32, #tpu.memory_space<vmem_shared>> -> memref<625x128xf32, #tpu.memory_space<vmem_shared>>
      tpu.enqueue_dma source(%dma_start3A_15 : memref<625x128xf32, #tpu.memory_space<vmem_shared>>) target(%dma_start3A_13 : memref<625x128xf32, #tpu.memory_space<hbm>>) target_semaphore(%run_scoped3A : memref<!tpu.dma_semaphore, #tpu.memory_space<semaphore_mem>>)
      %dma_wait3A = arith.constant 0 : i32
      %dma_wait3A_16 = arith.constant 0 : i32
      %dma_wait3A_17 = tpu.memref_slice %arg6[%arg0, %arg1, %dma_wait3A, %dma_wait3A_16] : memref<2x16x625x128xf32, #tpu.memory_space<hbm>> -> memref<1x1x625x128xf32, #tpu.memory_space<hbm>>
      %dma_wait3A_18 = tpu.memref_squeeze %dma_wait3A_17 : memref<1x1x625x128xf32, #tpu.memory_space<hbm>> -> memref<625x128xf32, #tpu.memory_space<hbm>>
      %dma_wait3A_19 = arith.constant 0 : i32
      %dma_wait3A_20 = tpu.memref_slice %arg10[%mul3A_10, %dma_wait3A_19] : memref<10000x128xf32, #tpu.memory_space<vmem_shared>> -> memref<625x128xf32, #tpu.memory_space<vmem_shared>>
      tpu.wait_dma2 semaphore(%run_scoped3A : memref<!tpu.dma_semaphore, #tpu.memory_space<semaphore_mem>>) src(%dma_wait3A_20 : memref<625x128xf32, #tpu.memory_space<vmem_shared>>) dst(%dma_wait3A_18 : memref<625x128xf32, #tpu.memory_space<hbm>>)
      tpu.yield
    }) : () -> ()
    return
  }
}

#map = affine_map<(d0, d1) -> (0, 0)>
#map1 = affine_map<(d0, d1) -> (0, 0, 0)>
#map2 = affine_map<(d0, d1) -> (0, 0, 0, 0)>
module attributes {stable_mosaic.version = 14 : i64} {
  func.func @sc_agg(%arg0: i32, %arg1: i32, %arg2: memref<10000x128xf32, #tpu.memory_space<hbm>>, %arg3: memref<32x80x125xi32, #tpu.memory_space<hbm>>, %arg4: memref<32x80x125xi32, #tpu.memory_space<hbm>>, %arg5: memref<625x128xf32, #tpu.memory_space<hbm>>, %arg6: memref<2x16x625x128xf32, #tpu.memory_space<hbm>>, %arg7: memref<80x125xi32, #tpu.memory_space<vmem>>, %arg8: memref<80x125xi32, #tpu.memory_space<vmem>>, %arg9: memref<125x128xf32, #tpu.memory_space<vmem>>, %arg10: memref<10000x128xf32, #tpu.memory_space<vmem_shared>>, %arg11: memref<!tpu.dma_semaphore, #tpu.memory_space<semaphore_mem>>) attributes {dimension_semantics = [#tpu.dimension_semantics<core_parallel>, #tpu.dimension_semantics<subcore_parallel>], iteration_bounds = array<i64: 2, 16>, scalar_prefetch = 0 : i64, scratch_operands = 5 : i64, tpu.core_type = #tpu.core_type<sc_vector_subcore>, window_params = [{transform_indices = #map}, {transform_indices = #map1}, {transform_indices = #map1}, {transform_indices = #map}, {transform_indices = #map2}]} {
    %mul3A = arith.constant 16 : i32
    %mul3A_0 = arith.muli %arg0, %mul3A : i32
    %add3A = arith.addi %mul3A_0, %arg1 : i32
    "tpu.region"() ({
      %run_scoped3A = tpu.sem_alloc : memref<!tpu.dma_semaphore, #tpu.memory_space<semaphore_mem>>
      %dma_start3A = arith.constant 0 : i32
      %dma_start3A_11 = arith.constant 0 : i32
      %dma_start3A_12 = tpu.memref_slice %arg3[%add3A, %dma_start3A, %dma_start3A_11] : memref<32x80x125xi32, #tpu.memory_space<hbm>> -> memref<1x80x125xi32, #tpu.memory_space<hbm>>
      %dma_start3A_13 = tpu.memref_squeeze %dma_start3A_12 : memref<1x80x125xi32, #tpu.memory_space<hbm>> -> memref<80x125xi32, #tpu.memory_space<hbm>>
      %dma_start3A_14 = arith.constant 0 : i32
      %dma_start3A_15 = arith.constant 0 : i32
      %dma_start3A_16 = tpu.memref_slice %arg3[%add3A, %dma_start3A_14, %dma_start3A_15] : memref<32x80x125xi32, #tpu.memory_space<hbm>> -> memref<1x80x125xi32, #tpu.memory_space<hbm>>
      %dma_start3A_17 = tpu.memref_squeeze %dma_start3A_16 : memref<1x80x125xi32, #tpu.memory_space<hbm>> -> memref<80x125xi32, #tpu.memory_space<hbm>>
      tpu.enqueue_dma source(%dma_start3A_17 : memref<80x125xi32, #tpu.memory_space<hbm>>) target(%arg7 : memref<80x125xi32, #tpu.memory_space<vmem>>) target_semaphore(%run_scoped3A : memref<!tpu.dma_semaphore, #tpu.memory_space<semaphore_mem>>)
      %dma_wait3A = arith.constant 0 : i32
      %dma_wait3A_18 = arith.constant 0 : i32
      %dma_wait3A_19 = tpu.memref_slice %arg3[%add3A, %dma_wait3A, %dma_wait3A_18] : memref<32x80x125xi32, #tpu.memory_space<hbm>> -> memref<1x80x125xi32, #tpu.memory_space<hbm>>
      %dma_wait3A_20 = tpu.memref_squeeze %dma_wait3A_19 : memref<1x80x125xi32, #tpu.memory_space<hbm>> -> memref<80x125xi32, #tpu.memory_space<hbm>>
      %dma_wait3A_21 = arith.constant 0 : i32
      %dma_wait3A_22 = arith.constant 0 : i32
      %dma_wait3A_23 = tpu.memref_slice %arg3[%add3A, %dma_wait3A_21, %dma_wait3A_22] : memref<32x80x125xi32, #tpu.memory_space<hbm>> -> memref<1x80x125xi32, #tpu.memory_space<hbm>>
      %dma_wait3A_24 = tpu.memref_squeeze %dma_wait3A_23 : memref<1x80x125xi32, #tpu.memory_space<hbm>> -> memref<80x125xi32, #tpu.memory_space<hbm>>
      tpu.wait_dma2 semaphore(%run_scoped3A : memref<!tpu.dma_semaphore, #tpu.memory_space<semaphore_mem>>) src(%dma_wait3A_24 : memref<80x125xi32, #tpu.memory_space<hbm>>) dst(%arg7 : memref<80x125xi32, #tpu.memory_space<vmem>>)
      tpu.yield
    }) : () -> ()
    "tpu.region"() ({
      %run_scoped3A = tpu.sem_alloc : memref<!tpu.dma_semaphore, #tpu.memory_space<semaphore_mem>>
      %dma_start3A = arith.constant 0 : i32
      %dma_start3A_11 = arith.constant 0 : i32
      %dma_start3A_12 = tpu.memref_slice %arg4[%add3A, %dma_start3A, %dma_start3A_11] : memref<32x80x125xi32, #tpu.memory_space<hbm>> -> memref<1x80x125xi32, #tpu.memory_space<hbm>>
      %dma_start3A_13 = tpu.memref_squeeze %dma_start3A_12 : memref<1x80x125xi32, #tpu.memory_space<hbm>> -> memref<80x125xi32, #tpu.memory_space<hbm>>
      %dma_start3A_14 = arith.constant 0 : i32
      %dma_start3A_15 = arith.constant 0 : i32
      %dma_start3A_16 = tpu.memref_slice %arg4[%add3A, %dma_start3A_14, %dma_start3A_15] : memref<32x80x125xi32, #tpu.memory_space<hbm>> -> memref<1x80x125xi32, #tpu.memory_space<hbm>>
      %dma_start3A_17 = tpu.memref_squeeze %dma_start3A_16 : memref<1x80x125xi32, #tpu.memory_space<hbm>> -> memref<80x125xi32, #tpu.memory_space<hbm>>
      tpu.enqueue_dma source(%dma_start3A_17 : memref<80x125xi32, #tpu.memory_space<hbm>>) target(%arg8 : memref<80x125xi32, #tpu.memory_space<vmem>>) target_semaphore(%run_scoped3A : memref<!tpu.dma_semaphore, #tpu.memory_space<semaphore_mem>>)
      %dma_wait3A = arith.constant 0 : i32
      %dma_wait3A_18 = arith.constant 0 : i32
      %dma_wait3A_19 = tpu.memref_slice %arg4[%add3A, %dma_wait3A, %dma_wait3A_18] : memref<32x80x125xi32, #tpu.memory_space<hbm>> -> memref<1x80x125xi32, #tpu.memory_space<hbm>>
      %dma_wait3A_20 = tpu.memref_squeeze %dma_wait3A_19 : memref<1x80x125xi32, #tpu.memory_space<hbm>> -> memref<80x125xi32, #tpu.memory_space<hbm>>
      %dma_wait3A_21 = arith.constant 0 : i32
      %dma_wait3A_22 = arith.constant 0 : i32
      %dma_wait3A_23 = tpu.memref_slice %arg4[%add3A, %dma_wait3A_21, %dma_wait3A_22] : memref<32x80x125xi32, #tpu.memory_space<hbm>> -> memref<1x80x125xi32, #tpu.memory_space<hbm>>
      %dma_wait3A_24 = tpu.memref_squeeze %dma_wait3A_23 : memref<1x80x125xi32, #tpu.memory_space<hbm>> -> memref<80x125xi32, #tpu.memory_space<hbm>>
      tpu.wait_dma2 semaphore(%run_scoped3A : memref<!tpu.dma_semaphore, #tpu.memory_space<semaphore_mem>>) src(%dma_wait3A_24 : memref<80x125xi32, #tpu.memory_space<hbm>>) dst(%arg8 : memref<80x125xi32, #tpu.memory_space<vmem>>)
      tpu.yield
    }) : () -> ()
    %mul3A_1 = arith.constant 625 : i32
    %mul3A_2 = arith.muli %arg1, %mul3A_1 : i32
    "tpu.region"() ({
      %run_scoped3A = tpu.sem_alloc : memref<!tpu.dma_semaphore, #tpu.memory_space<semaphore_mem>>
      %dma_start3A = arith.constant 0 : i32
      %dma_start3A_11 = tpu.memref_slice %arg10[%mul3A_2, %dma_start3A] : memref<10000x128xf32, #tpu.memory_space<vmem_shared>> -> memref<625x128xf32, #tpu.memory_space<vmem_shared>>
      tpu.enqueue_dma source(%arg5 : memref<625x128xf32, #tpu.memory_space<hbm>>) target(%dma_start3A_11 : memref<625x128xf32, #tpu.memory_space<vmem_shared>>) target_semaphore(%run_scoped3A : memref<!tpu.dma_semaphore, #tpu.memory_space<semaphore_mem>>)
      %dma_wait3A = arith.constant 0 : i32
      %dma_wait3A_12 = tpu.memref_slice %arg10[%mul3A_2, %dma_wait3A] : memref<10000x128xf32, #tpu.memory_space<vmem_shared>> -> memref<625x128xf32, #tpu.memory_space<vmem_shared>>
      tpu.wait_dma2 semaphore(%run_scoped3A : memref<!tpu.dma_semaphore, #tpu.memory_space<semaphore_mem>>) src(%arg5 : memref<625x128xf32, #tpu.memory_space<hbm>>) dst(%dma_wait3A_12 : memref<625x128xf32, #tpu.memory_space<vmem_shared>>)
      tpu.yield
    }) : () -> ()
    %barrier3A = arith.constant 0 : index
    tpu.barrier barrier_id(%barrier3A)
    %scan3A = arith.constant 0 : i32
    %scan3A_3 = arith.constant 0 : i32
    %scan3A_4 = arith.constant 80 : i32
    %scan3A_5 = arith.addi %scan3A_3, %scan3A_4 : i32
    %scan3A_6 = arith.constant 1 : i32
    scf.for %scan3A_11 = %scan3A_3 to %scan3A_5 step %scan3A_6  : i32 {
      %dma_start3A = arith.constant 0 : i32
      %dma_start3A_12 = tpu.memref_slice %arg7[%scan3A_11, %dma_start3A] : memref<80x125xi32, #tpu.memory_space<vmem>> -> memref<1x125xi32, #tpu.memory_space<vmem>>
      %dma_start3A_13 = tpu.memref_squeeze %dma_start3A_12 : memref<1x125xi32, #tpu.memory_space<vmem>> -> memref<125xi32, #tpu.memory_space<vmem>>
      %dma_start3A_14 = arith.constant 0 : i32
      %dma_start3A_15 = arith.constant 0 : i32
      %dma_start3A_16 = tpu.memref_slice %arg2[%dma_start3A_14, %dma_start3A_15] : memref<10000x128xf32, #tpu.memory_space<hbm>> -> memref<10000x128xf32, #tpu.memory_space<hbm>>
      tpu.enqueue_indirect_dma source(%dma_start3A_16 : memref<10000x128xf32, #tpu.memory_space<hbm>>) target(%arg9 : memref<125x128xf32, #tpu.memory_space<vmem>>) offsets(%dma_start3A_13 : memref<125xi32, #tpu.memory_space<vmem>>) semaphore(%arg11 : memref<!tpu.dma_semaphore, #tpu.memory_space<semaphore_mem>>)
      %dma_wait3A = arith.constant 0 : i32
      %dma_wait3A_17 = tpu.memref_slice %arg7[%scan3A_11, %dma_wait3A] : memref<80x125xi32, #tpu.memory_space<vmem>> -> memref<1x125xi32, #tpu.memory_space<vmem>>
      %dma_wait3A_18 = tpu.memref_squeeze %dma_wait3A_17 : memref<1x125xi32, #tpu.memory_space<vmem>> -> memref<125xi32, #tpu.memory_space<vmem>>
      %dma_wait3A_19 = arith.constant 0 : i32
      %dma_wait3A_20 = arith.constant 0 : i32
      %dma_wait3A_21 = tpu.memref_slice %arg2[%dma_wait3A_19, %dma_wait3A_20] : memref<10000x128xf32, #tpu.memory_space<hbm>> -> memref<10000x128xf32, #tpu.memory_space<hbm>>
      tpu.wait_indirect_dma semaphore(%arg11 : memref<!tpu.dma_semaphore, #tpu.memory_space<semaphore_mem>>) src(%dma_wait3A_21 : memref<10000x128xf32, #tpu.memory_space<hbm>>) dst(%arg9 : memref<125x128xf32, #tpu.memory_space<vmem>>)
      "tpu.region"() ({
        %run_scoped3A = tpu.sem_alloc : memref<!tpu.dma_semaphore, #tpu.memory_space<semaphore_mem>>
        %dma_start3A_22 = arith.constant 0 : i32
        %dma_start3A_23 = tpu.memref_slice %arg8[%scan3A_11, %dma_start3A_22] : memref<80x125xi32, #tpu.memory_space<vmem>> -> memref<1x125xi32, #tpu.memory_space<vmem>>
        %dma_start3A_24 = tpu.memref_squeeze %dma_start3A_23 : memref<1x125xi32, #tpu.memory_space<vmem>> -> memref<125xi32, #tpu.memory_space<vmem>>
        %dma_start3A_25 = arith.constant 0 : i32
        %dma_start3A_26 = arith.constant 0 : i32
        %dma_start3A_27 = tpu.memref_slice %arg10[%dma_start3A_25, %dma_start3A_26] : memref<10000x128xf32, #tpu.memory_space<vmem_shared>> -> memref<10000x128xf32, #tpu.memory_space<vmem_shared>>
        tpu.enqueue_indirect_dma source(%arg9 : memref<125x128xf32, #tpu.memory_space<vmem>>) target(%dma_start3A_27 : memref<10000x128xf32, #tpu.memory_space<vmem_shared>>) offsets(%dma_start3A_24 : memref<125xi32, #tpu.memory_space<vmem>>) semaphore(%run_scoped3A : memref<!tpu.dma_semaphore, #tpu.memory_space<semaphore_mem>>) {add = true}
        %dma_wait3A_28 = arith.constant 0 : i32
        %dma_wait3A_29 = tpu.memref_slice %arg8[%scan3A_11, %dma_wait3A_28] : memref<80x125xi32, #tpu.memory_space<vmem>> -> memref<1x125xi32, #tpu.memory_space<vmem>>
        %dma_wait3A_30 = tpu.memref_squeeze %dma_wait3A_29 : memref<1x125xi32, #tpu.memory_space<vmem>> -> memref<125xi32, #tpu.memory_space<vmem>>
        %dma_wait3A_31 = arith.constant 0 : i32
        %dma_wait3A_32 = arith.constant 0 : i32
        %dma_wait3A_33 = tpu.memref_slice %arg10[%dma_wait3A_31, %dma_wait3A_32] : memref<10000x128xf32, #tpu.memory_space<vmem_shared>> -> memref<10000x128xf32, #tpu.memory_space<vmem_shared>>
        tpu.wait_indirect_dma semaphore(%run_scoped3A : memref<!tpu.dma_semaphore, #tpu.memory_space<semaphore_mem>>) src(%arg9 : memref<125x128xf32, #tpu.memory_space<vmem>>) dst(%dma_wait3A_33 : memref<10000x128xf32, #tpu.memory_space<vmem_shared>>)
        tpu.yield
      }) : () -> ()
    }
    %scan3A_7 = arith.constant 80 : i32
    %barrier3A_8 = arith.constant 0 : index
    tpu.barrier barrier_id(%barrier3A_8)
    %mul3A_9 = arith.constant 625 : i32
    %mul3A_10 = arith.muli %arg1, %mul3A_9 : i32
    "tpu.region"() ({
      %run_scoped3A = tpu.sem_alloc : memref<!tpu.dma_semaphore, #tpu.memory_space<semaphore_mem>>
      %dma_start3A = arith.constant 0 : i32
      %dma_start3A_11 = arith.constant 0 : i32
      %dma_start3A_12 = tpu.memref_slice %arg6[%arg0, %arg1, %dma_start3A, %dma_start3A_11] : memref<2x16x625x128xf32, #tpu.memory_space<hbm>> -> memref<1x1x625x128xf32, #tpu.memory_space<hbm>>
      %dma_start3A_13 = tpu.memref_squeeze %dma_start3A_12 : memref<1x1x625x128xf32, #tpu.memory_space<hbm>> -> memref<625x128xf32, #tpu.memory_space<hbm>>
      %dma_start3A_14 = arith.constant 0 : i32
      %dma_start3A_15 = tpu.memref_slice %arg10[%mul3A_10, %dma_start3A_14] : memref<10000x128xf32, #tpu.memory_space<vmem_shared>> -> memref<625x128xf32, #tpu.memory_space<vmem_shared>>
      tpu.enqueue_dma source(%dma_start3A_15 : memref<625x128xf32, #tpu.memory_space<vmem_shared>>) target(%dma_start3A_13 : memref<625x128xf32, #tpu.memory_space<hbm>>) target_semaphore(%run_scoped3A : memref<!tpu.dma_semaphore, #tpu.memory_space<semaphore_mem>>)
      %dma_wait3A = arith.constant 0 : i32
      %dma_wait3A_16 = arith.constant 0 : i32
      %dma_wait3A_17 = tpu.memref_slice %arg6[%arg0, %arg1, %dma_wait3A, %dma_wait3A_16] : memref<2x16x625x128xf32, #tpu.memory_space<hbm>> -> memref<1x1x625x128xf32, #tpu.memory_space<hbm>>
      %dma_wait3A_18 = tpu.memref_squeeze %dma_wait3A_17 : memref<1x1x625x128xf32, #tpu.memory_space<hbm>> -> memref<625x128xf32, #tpu.memory_space<hbm>>
      %dma_wait3A_19 = arith.constant 0 : i32
      %dma_wait3A_20 = tpu.memref_slice %arg10[%mul3A_10, %dma_wait3A_19] : memref<10000x128xf32, #tpu.memory_space<vmem_shared>> -> memref<625x128xf32, #tpu.memory_space<vmem_shared>>
      tpu.wait_dma2 semaphore(%run_scoped3A : memref<!tpu.dma_semaphore, #tpu.memory_space<semaphore_mem>>) src(%dma_wait3A_20 : memref<625x128xf32, #tpu.memory_space<vmem_shared>>) dst(%dma_wait3A_18 : memref<625x128xf32, #tpu.memory_space<hbm>>)
      tpu.yield
    }) : () -> ()
    return
  }
}

module attributes {stable_mosaic.version = 14 : i64} {
  func.func @_embed_body(%arg0: memref<10000x128xf32, #tpu.memory_space<vmem>>, %arg1: memref<128x128xf32, #tpu.memory_space<vmem>>, %arg2: memref<1x128xf32, #tpu.memory_space<vmem>>, %arg3: memref<1x128xf32, #tpu.memory_space<vmem>>, %arg4: memref<1x128xf32, #tpu.memory_space<vmem>>, %arg5: memref<10000x128xf32, #tpu.memory_space<vmem>>) attributes {dimension_semantics = [], scalar_prefetch = 0 : i64, scratch_operands = 0 : i64, tpu.core_type = #tpu.core_type<tc>} {
    %get3A = arith.constant 0 : index
    %get3A_0 = arith.constant 0 : index
    %get3A_1 = vector.load %arg0[%get3A, %get3A_0] : memref<10000x128xf32, #tpu.memory_space<vmem>>, vector<10000x128xf32>
    %get3A_2 = arith.constant 0 : index
    %get3A_3 = arith.constant 0 : index
    %get3A_4 = vector.load %arg1[%get3A_2, %get3A_3] : memref<128x128xf32, #tpu.memory_space<vmem>>, vector<128x128xf32>
    %dot_general3A = arith.constant dense<0.000000e+00> : vector<10000x128xf32>
    %dot_general3A_5 = tpu.matmul %get3A_1, %get3A_4, %dot_general3A {dimension_numbers = #tpu.dot_dimension_numbers<[1], [0], [0], [1], [0, 0, 1, 1], [], []>, transpose_lhs_hint = false} : vector<10000x128xf32>, vector<128x128xf32>, vector<10000x128xf32> -> vector<10000x128xf32>
    %get3A_6 = arith.constant 0 : index
    %get3A_7 = arith.constant 0 : index
    %get3A_8 = vector.load %arg2[%get3A_6, %get3A_7] : memref<1x128xf32, #tpu.memory_space<vmem>>, vector<1x128xf32>
    %add3A = vector.broadcast %get3A_8 : vector<1x128xf32> to vector<10000x128xf32>
    %add3A_9 = arith.addf %dot_general3A_5, %add3A : vector<10000x128xf32>
    %get3A_10 = arith.constant 0 : index
    %get3A_11 = arith.constant 0 : index
    %get3A_12 = vector.load %arg3[%get3A_10, %get3A_11] : memref<1x128xf32, #tpu.memory_space<vmem>>, vector<1x128xf32>
    %get3A_13 = arith.constant 0 : index
    %get3A_14 = arith.constant 0 : index
    %get3A_15 = vector.load %arg4[%get3A_13, %get3A_14] : memref<1x128xf32, #tpu.memory_space<vmem>>, vector<1x128xf32>
    %reduce_sum3A = arith.constant dense<0.000000e+00> : vector<128xf32>
    %reduce_sum3A_16 = vector.multi_reduction <add>, %add3A_9, %reduce_sum3A [0] : vector<10000x128xf32> to vector<128xf32>
    %broadcast_in_dim3A = vector.shape_cast %reduce_sum3A_16 : vector<128xf32> to vector<1x128xf32>
    %div3A = arith.constant 1.000000e+04 : f32
    %div3A_17 = vector.broadcast %div3A : f32 to vector<1x128xf32>
    %div3A_18 = arith.divf %broadcast_in_dim3A, %div3A_17 : vector<1x128xf32>
    %jit3A = arith.constant 0 : i32
    %reduce_sum3A_19 = arith.constant dense<0.000000e+00> : vector<128xf32>
    %reduce_sum3A_20 = vector.multi_reduction <add>, %add3A_9, %reduce_sum3A_19 [0] : vector<10000x128xf32> to vector<128xf32>
    %broadcast_in_dim3A_21 = vector.shape_cast %reduce_sum3A_20 : vector<128xf32> to vector<1x128xf32>
    %div3A_22 = arith.constant 1.000000e+04 : f32
    %div3A_23 = vector.broadcast %div3A_22 : f32 to vector<1x128xf32>
    %div3A_24 = arith.divf %broadcast_in_dim3A_21, %div3A_23 : vector<1x128xf32>
    %sub3A = vector.broadcast %div3A_24 : vector<1x128xf32> to vector<10000x128xf32>
    %sub3A_25 = arith.subf %add3A_9, %sub3A : vector<10000x128xf32>
    %square3A = arith.mulf %sub3A_25, %sub3A_25 : vector<10000x128xf32>
    %convert_element_type3A = arith.sitofp %jit3A : i32 to f32
    %sub3A_26 = arith.constant 1.000000e+04 : f32
    %sub3A_27 = arith.subf %sub3A_26, %convert_element_type3A : f32
    %reduce_sum3A_28 = arith.constant dense<0.000000e+00> : vector<128xf32>
    %reduce_sum3A_29 = vector.multi_reduction <add>, %square3A, %reduce_sum3A_28 [0] : vector<10000x128xf32> to vector<128xf32>
    %broadcast_in_dim3A_30 = vector.shape_cast %reduce_sum3A_29 : vector<128xf32> to vector<1x128xf32>
    %div3A_31 = vector.broadcast %sub3A_27 : f32 to vector<1x128xf32>
    %div3A_32 = arith.divf %broadcast_in_dim3A_30, %div3A_31 : vector<1x128xf32>
    %gt3A = arith.constant 0.000000e+00 : f32
    %gt3A_33 = arith.cmpf ogt, %sub3A_27, %gt3A : f32
    %jit3A_34 = arith.constant 0x7FC00000 : f32
    %broadcast_in_dim3A_35 = vector.broadcast %jit3A_34 : f32 to vector<1x128xf32>
    %select_n3A = arith.select %gt3A_33, %div3A_32, %broadcast_in_dim3A_35 : vector<1x128xf32>
    %sub3A_36 = vector.broadcast %div3A_18 : vector<1x128xf32> to vector<10000x128xf32>
    %sub3A_37 = arith.subf %add3A_9, %sub3A_36 : vector<10000x128xf32>
    %add3A_38 = arith.constant 9.99999974E-6 : f32
    %add3A_39 = vector.broadcast %add3A_38 : f32 to vector<1x128xf32>
    %add3A_40 = arith.addf %select_n3A, %add3A_39 : vector<1x128xf32>
    %sqrt3A = math.sqrt %add3A_40 : vector<1x128xf32>
    %div3A_41 = vector.broadcast %sqrt3A : vector<1x128xf32> to vector<10000x128xf32>
    %div3A_42 = arith.divf %sub3A_37, %div3A_41 : vector<10000x128xf32>
    %mul3A = vector.broadcast %get3A_12 : vector<1x128xf32> to vector<10000x128xf32>
    %mul3A_43 = arith.mulf %div3A_42, %mul3A : vector<10000x128xf32>
    %add3A_44 = vector.broadcast %get3A_15 : vector<1x128xf32> to vector<10000x128xf32>
    %add3A_45 = arith.addf %mul3A_43, %add3A_44 : vector<10000x128xf32>
    %swap3A = arith.constant 0 : index
    %swap3A_46 = arith.constant 0 : index
    %swap3A_47 = vector.load %arg5[%swap3A, %swap3A_46] : memref<10000x128xf32, #tpu.memory_space<vmem>>, vector<10000x128xf32>
    tpu.vector_store %arg5[%swap3A, %swap3A_46], %add3A_45 {strides = array<i32>} : memref<10000x128xf32, #tpu.memory_space<vmem>>, vector<10000x128xf32>,
    return
  }
}

module attributes {stable_mosaic.version = 14 : i64} {
  func.func @_gin_body(%arg0: memref<10000x128xf32, #tpu.memory_space<vmem>>, %arg1: memref<10000x128xf32, #tpu.memory_space<vmem>>, %arg2: memref<10000x128xf32, #tpu.memory_space<vmem>>, %arg3: memref<128x128xf32, #tpu.memory_space<vmem>>, %arg4: memref<1x128xf32, #tpu.memory_space<vmem>>, %arg5: memref<128x128xf32, #tpu.memory_space<vmem>>, %arg6: memref<1x128xf32, #tpu.memory_space<vmem>>, %arg7: memref<1x128xf32, #tpu.memory_space<vmem>>, %arg8: memref<1x128xf32, #tpu.memory_space<vmem>>, %arg9: memref<10000x128xf32, #tpu.memory_space<vmem>>) attributes {dimension_semantics = [], scalar_prefetch = 0 : i64, scratch_operands = 0 : i64, tpu.core_type = #tpu.core_type<tc>} {
    %get3A = arith.constant 0 : index
    %get3A_0 = arith.constant 0 : index
    %get3A_1 = vector.load %arg0[%get3A, %get3A_0] : memref<10000x128xf32, #tpu.memory_space<vmem>>, vector<10000x128xf32>
    %get3A_2 = arith.constant 0 : index
    %get3A_3 = arith.constant 0 : index
    %get3A_4 = vector.load %arg1[%get3A_2, %get3A_3] : memref<10000x128xf32, #tpu.memory_space<vmem>>, vector<10000x128xf32>
    %get3A_5 = arith.constant 0 : index
    %get3A_6 = arith.constant 0 : index
    %get3A_7 = vector.load %arg2[%get3A_5, %get3A_6] : memref<10000x128xf32, #tpu.memory_space<vmem>>, vector<10000x128xf32>
    %add3A = arith.addf %get3A_4, %get3A_7 : vector<10000x128xf32>
    %add3A_8 = arith.addf %get3A_1, %add3A : vector<10000x128xf32>
    %get3A_9 = arith.constant 0 : index
    %get3A_10 = arith.constant 0 : index
    %get3A_11 = vector.load %arg3[%get3A_9, %get3A_10] : memref<128x128xf32, #tpu.memory_space<vmem>>, vector<128x128xf32>
    %dot_general3A = arith.constant dense<0.000000e+00> : vector<10000x128xf32>
    %dot_general3A_12 = tpu.matmul %add3A_8, %get3A_11, %dot_general3A {dimension_numbers = #tpu.dot_dimension_numbers<[1], [0], [0], [1], [0, 0, 1, 1], [], []>, transpose_lhs_hint = false} : vector<10000x128xf32>, vector<128x128xf32>, vector<10000x128xf32> -> vector<10000x128xf32>
    %get3A_13 = arith.constant 0 : index
    %get3A_14 = arith.constant 0 : index
    %get3A_15 = vector.load %arg4[%get3A_13, %get3A_14] : memref<1x128xf32, #tpu.memory_space<vmem>>, vector<1x128xf32>
    %add3A_16 = vector.broadcast %get3A_15 : vector<1x128xf32> to vector<10000x128xf32>
    %add3A_17 = arith.addf %dot_general3A_12, %add3A_16 : vector<10000x128xf32>
    %max3A = arith.constant 0.000000e+00 : f32
    %max3A_18 = vector.broadcast %max3A : f32 to vector<10000x128xf32>
    %max3A_19 = arith.maximumf %add3A_17, %max3A_18 : vector<10000x128xf32>
    %get3A_20 = arith.constant 0 : index
    %get3A_21 = arith.constant 0 : index
    %get3A_22 = vector.load %arg5[%get3A_20, %get3A_21] : memref<128x128xf32, #tpu.memory_space<vmem>>, vector<128x128xf32>
    %dot_general3A_23 = arith.constant dense<0.000000e+00> : vector<10000x128xf32>
    %dot_general3A_24 = tpu.matmul %max3A_19, %get3A_22, %dot_general3A_23 {dimension_numbers = #tpu.dot_dimension_numbers<[1], [0], [0], [1], [0, 0, 1, 1], [], []>, transpose_lhs_hint = false} : vector<10000x128xf32>, vector<128x128xf32>, vector<10000x128xf32> -> vector<10000x128xf32>
    %get3A_25 = arith.constant 0 : index
    %get3A_26 = arith.constant 0 : index
    %get3A_27 = vector.load %arg6[%get3A_25, %get3A_26] : memref<1x128xf32, #tpu.memory_space<vmem>>, vector<1x128xf32>
    %add3A_28 = vector.broadcast %get3A_27 : vector<1x128xf32> to vector<10000x128xf32>
    %add3A_29 = arith.addf %dot_general3A_24, %add3A_28 : vector<10000x128xf32>
    %get3A_30 = arith.constant 0 : index
    %get3A_31 = arith.constant 0 : index
    %get3A_32 = vector.load %arg7[%get3A_30, %get3A_31] : memref<1x128xf32, #tpu.memory_space<vmem>>, vector<1x128xf32>
    %get3A_33 = arith.constant 0 : index
    %get3A_34 = arith.constant 0 : index
    %get3A_35 = vector.load %arg8[%get3A_33, %get3A_34] : memref<1x128xf32, #tpu.memory_space<vmem>>, vector<1x128xf32>
    %reduce_sum3A = arith.constant dense<0.000000e+00> : vector<128xf32>
    %reduce_sum3A_36 = vector.multi_reduction <add>, %add3A_29, %reduce_sum3A [0] : vector<10000x128xf32> to vector<128xf32>
    %broadcast_in_dim3A = vector.shape_cast %reduce_sum3A_36 : vector<128xf32> to vector<1x128xf32>
    %div3A = arith.constant 1.000000e+04 : f32
    %div3A_37 = vector.broadcast %div3A : f32 to vector<1x128xf32>
    %div3A_38 = arith.divf %broadcast_in_dim3A, %div3A_37 : vector<1x128xf32>
    %jit3A = arith.constant 0 : i32
    %reduce_sum3A_39 = arith.constant dense<0.000000e+00> : vector<128xf32>
    %reduce_sum3A_40 = vector.multi_reduction <add>, %add3A_29, %reduce_sum3A_39 [0] : vector<10000x128xf32> to vector<128xf32>
    %broadcast_in_dim3A_41 = vector.shape_cast %reduce_sum3A_40 : vector<128xf32> to vector<1x128xf32>
    %div3A_42 = arith.constant 1.000000e+04 : f32
    %div3A_43 = vector.broadcast %div3A_42 : f32 to vector<1x128xf32>
    %div3A_44 = arith.divf %broadcast_in_dim3A_41, %div3A_43 : vector<1x128xf32>
    %sub3A = vector.broadcast %div3A_44 : vector<1x128xf32> to vector<10000x128xf32>
    %sub3A_45 = arith.subf %add3A_29, %sub3A : vector<10000x128xf32>
    %square3A = arith.mulf %sub3A_45, %sub3A_45 : vector<10000x128xf32>
    %convert_element_type3A = arith.sitofp %jit3A : i32 to f32
    %sub3A_46 = arith.constant 1.000000e+04 : f32
    %sub3A_47 = arith.subf %sub3A_46, %convert_element_type3A : f32
    %reduce_sum3A_48 = arith.constant dense<0.000000e+00> : vector<128xf32>
    %reduce_sum3A_49 = vector.multi_reduction <add>, %square3A, %reduce_sum3A_48 [0] : vector<10000x128xf32> to vector<128xf32>
    %broadcast_in_dim3A_50 = vector.shape_cast %reduce_sum3A_49 : vector<128xf32> to vector<1x128xf32>
    %div3A_51 = vector.broadcast %sub3A_47 : f32 to vector<1x128xf32>
    %div3A_52 = arith.divf %broadcast_in_dim3A_50, %div3A_51 : vector<1x128xf32>
    %gt3A = arith.constant 0.000000e+00 : f32
    %gt3A_53 = arith.cmpf ogt, %sub3A_47, %gt3A : f32
    %jit3A_54 = arith.constant 0x7FC00000 : f32
    %broadcast_in_dim3A_55 = vector.broadcast %jit3A_54 : f32 to vector<1x128xf32>
    %select_n3A = arith.select %gt3A_53, %div3A_52, %broadcast_in_dim3A_55 : vector<1x128xf32>
    %sub3A_56 = vector.broadcast %div3A_38 : vector<1x128xf32> to vector<10000x128xf32>
    %sub3A_57 = arith.subf %add3A_29, %sub3A_56 : vector<10000x128xf32>
    %add3A_58 = arith.constant 9.99999974E-6 : f32
    %add3A_59 = vector.broadcast %add3A_58 : f32 to vector<1x128xf32>
    %add3A_60 = arith.addf %select_n3A, %add3A_59 : vector<1x128xf32>
    %sqrt3A = math.sqrt %add3A_60 : vector<1x128xf32>
    %div3A_61 = vector.broadcast %sqrt3A : vector<1x128xf32> to vector<10000x128xf32>
    %div3A_62 = arith.divf %sub3A_57, %div3A_61 : vector<10000x128xf32>
    %mul3A = vector.broadcast %get3A_32 : vector<1x128xf32> to vector<10000x128xf32>
    %mul3A_63 = arith.mulf %div3A_62, %mul3A : vector<10000x128xf32>
    %add3A_64 = vector.broadcast %get3A_35 : vector<1x128xf32> to vector<10000x128xf32>
    %add3A_65 = arith.addf %mul3A_63, %add3A_64 : vector<10000x128xf32>
    %swap3A = arith.constant 0 : index
    %swap3A_66 = arith.constant 0 : index
    %swap3A_67 = vector.load %arg9[%swap3A, %swap3A_66] : memref<10000x128xf32, #tpu.memory_space<vmem>>, vector<10000x128xf32>
    tpu.vector_store %arg9[%swap3A, %swap3A_66], %add3A_65 {strides = array<i32>} : memref<10000x128xf32, #tpu.memory_space<vmem>>, vector<10000x128xf32>,
    return
  }
}

module attributes {stable_mosaic.version = 14 : i64} {
  func.func @_out_body(%arg0: i32, %arg1: memref<2000x128xf32, #tpu.memory_space<vmem>>, %arg2: memref<10x128x128xf32, #tpu.memory_space<vmem>>, %arg3: memref<10x1x128xf32, #tpu.memory_space<vmem>>, %arg4: memref<10x128x128xf32, #tpu.memory_space<vmem>>, %arg5: memref<10x1x128xf32, #tpu.memory_space<vmem>>, %arg6: memref<10x1x128xf32, #tpu.memory_space<vmem>>, %arg7: memref<10x1x1xf32, #tpu.memory_space<vmem>>, %arg8: memref<2000x1xf32, #tpu.memory_space<vmem>>, %arg9: memref<2000x1xf32, #tpu.memory_space<vmem>>) attributes {dimension_semantics = [#tpu.dimension_semantics<arbitrary>], iteration_bounds = array<i64: 5>, scalar_prefetch = 0 : i64, scratch_operands = 0 : i64, tpu.core_type = #tpu.core_type<tc>, window_params = [{transform_indices = @transform_0, window_bounds = array<i64: 2000, 128>}, {pipeline_mode = #tpu.pipeline_mode<synchronous>, transform_indices = @transform_1, window_bounds = array<i64: 10, 128, 128>}, {pipeline_mode = #tpu.pipeline_mode<synchronous>, transform_indices = @transform_2, window_bounds = array<i64: 10, 1, 128>}, {pipeline_mode = #tpu.pipeline_mode<synchronous>, transform_indices = @transform_3, window_bounds = array<i64: 10, 128, 128>}, {pipeline_mode = #tpu.pipeline_mode<synchronous>, transform_indices = @transform_4, window_bounds = array<i64: 10, 1, 128>}, {pipeline_mode = #tpu.pipeline_mode<synchronous>, transform_indices = @transform_5, window_bounds = array<i64: 10, 1, 128>}, {pipeline_mode = #tpu.pipeline_mode<synchronous>, transform_indices = @transform_6, window_bounds = array<i64: 10, 1, 1>}, {transform_indices = @transform_7, window_bounds = array<i64: 2000, 1>}, {transform_indices = @transform_8, window_bounds = array<i64: 2000, 1>}]} {
    %get3A = arith.constant 0 : index
    %get3A_0 = arith.constant 0 : index
    %get3A_1 = vector.load %arg1[%get3A, %get3A_0] : memref<2000x128xf32, #tpu.memory_space<vmem>>, vector<2000x128xf32>
    %get3A_2 = arith.constant 0 : index
    %get3A_3 = arith.constant 0 : index
    %get3A_4 = arith.constant 0 : index
    %get3A_5 = vector.load %arg2[%get3A_2, %get3A_3, %get3A_4] : memref<10x128x128xf32, #tpu.memory_space<vmem>>, vector<1x128x128xf32>
    %get3A_6 = vector.shape_cast %get3A_5 : vector<1x128x128xf32> to vector<128x128xf32>
    %dot_general3A = arith.constant dense<0.000000e+00> : vector<2000x128xf32>
    %dot_general3A_7 = tpu.matmul %get3A_1, %get3A_6, %dot_general3A {dimension_numbers = #tpu.dot_dimension_numbers<[1], [0], [0], [1], [0, 0, 1, 1], [], []>, transpose_lhs_hint = false} : vector<2000x128xf32>, vector<128x128xf32>, vector<2000x128xf32> -> vector<2000x128xf32>
    %get3A_8 = arith.constant 0 : index
    %get3A_9 = arith.constant 0 : index
    %get3A_10 = arith.constant 0 : index
    %get3A_11 = vector.load %arg3[%get3A_8, %get3A_9, %get3A_10] : memref<10x1x128xf32, #tpu.memory_space<vmem>>, vector<1x1x128xf32>
    %get3A_12 = vector.shape_cast %get3A_11 : vector<1x1x128xf32> to vector<1x128xf32>
    %add3A = vector.broadcast %get3A_12 : vector<1x128xf32> to vector<2000x128xf32>
    %add3A_13 = arith.addf %dot_general3A_7, %add3A : vector<2000x128xf32>
    %max3A = arith.constant 0.000000e+00 : f32
    %max3A_14 = vector.broadcast %max3A : f32 to vector<2000x128xf32>
    %max3A_15 = arith.maximumf %add3A_13, %max3A_14 : vector<2000x128xf32>
    %get3A_16 = arith.constant 0 : index
    %get3A_17 = arith.constant 0 : index
    %get3A_18 = arith.constant 0 : index
    %get3A_19 = vector.load %arg4[%get3A_16, %get3A_17, %get3A_18] : memref<10x128x128xf32, #tpu.memory_space<vmem>>, vector<1x128x128xf32>
    %get3A_20 = vector.shape_cast %get3A_19 : vector<1x128x128xf32> to vector<128x128xf32>
    %dot_general3A_21 = arith.constant dense<0.000000e+00> : vector<2000x128xf32>
    %dot_general3A_22 = tpu.matmul %max3A_15, %get3A_20, %dot_general3A_21 {dimension_numbers = #tpu.dot_dimension_numbers<[1], [0], [0], [1], [0, 0, 1, 1], [], []>, transpose_lhs_hint = false} : vector<2000x128xf32>, vector<128x128xf32>, vector<2000x128xf32> -> vector<2000x128xf32>
    %get3A_23 = arith.constant 0 : index
    %get3A_24 = arith.constant 0 : index
    %get3A_25 = arith.constant 0 : index
    %get3A_26 = vector.load %arg5[%get3A_23, %get3A_24, %get3A_25] : memref<10x1x128xf32, #tpu.memory_space<vmem>>, vector<1x1x128xf32>
    %get3A_27 = vector.shape_cast %get3A_26 : vector<1x1x128xf32> to vector<1x128xf32>
    %add3A_28 = vector.broadcast %get3A_27 : vector<1x128xf32> to vector<2000x128xf32>
    %add3A_29 = arith.addf %dot_general3A_22, %add3A_28 : vector<2000x128xf32>
    %max3A_30 = arith.constant 0.000000e+00 : f32
    %max3A_31 = vector.broadcast %max3A_30 : f32 to vector<2000x128xf32>
    %max3A_32 = arith.maximumf %add3A_29, %max3A_31 : vector<2000x128xf32>
    %get3A_33 = arith.constant 0 : index
    %get3A_34 = arith.constant 0 : index
    %get3A_35 = arith.constant 0 : index
    %get3A_36 = vector.load %arg6[%get3A_33, %get3A_34, %get3A_35] : memref<10x1x128xf32, #tpu.memory_space<vmem>>, vector<1x1x128xf32>
    %get3A_37 = vector.shape_cast %get3A_36 : vector<1x1x128xf32> to vector<1x128xf32>
    %mul3A = vector.broadcast %get3A_37 : vector<1x128xf32> to vector<2000x128xf32>
    %mul3A_38 = arith.mulf %max3A_32, %mul3A : vector<2000x128xf32>
    %reduce_sum3A = arith.constant dense<0.000000e+00> : vector<2000xf32>
    %reduce_sum3A_39 = vector.multi_reduction <add>, %mul3A_38, %reduce_sum3A [1] : vector<2000x128xf32> to vector<2000xf32>
    %broadcast_in_dim3A = vector.shape_cast %reduce_sum3A_39 : vector<2000xf32> to vector<2000x1xf32>
    %get3A_40 = arith.constant 0 : index
    %get3A_41 = arith.constant 0 : index
    %get3A_42 = arith.constant 0 : index
    %get3A_43 = vector.load %arg7[%get3A_40, %get3A_41, %get3A_42] : memref<10x1x1xf32, #tpu.memory_space<vmem>>, vector<1x1x1xf32>
    %get3A_44 = vector.shape_cast %get3A_43 : vector<1x1x1xf32> to vector<1x1xf32>
    %add3A_45 = vector.broadcast %get3A_44 : vector<1x1xf32> to vector<2000x1xf32>
    %add3A_46 = arith.addf %broadcast_in_dim3A, %add3A_45 : vector<2000x1xf32>
    %get3A_47 = arith.constant 1 : index
    %get3A_48 = arith.constant 0 : index
    %get3A_49 = arith.constant 0 : index
    %get3A_50 = vector.load %arg2[%get3A_47, %get3A_48, %get3A_49] : memref<10x128x128xf32, #tpu.memory_space<vmem>>, vector<1x128x128xf32>
    %get3A_51 = vector.shape_cast %get3A_50 : vector<1x128x128xf32> to vector<128x128xf32>
    %dot_general3A_52 = arith.constant dense<0.000000e+00> : vector<2000x128xf32>
    %dot_general3A_53 = tpu.matmul %get3A_1, %get3A_51, %dot_general3A_52 {dimension_numbers = #tpu.dot_dimension_numbers<[1], [0], [0], [1], [0, 0, 1, 1], [], []>, transpose_lhs_hint = false} : vector<2000x128xf32>, vector<128x128xf32>, vector<2000x128xf32> -> vector<2000x128xf32>
    %get3A_54 = arith.constant 1 : index
    %get3A_55 = arith.constant 0 : index
    %get3A_56 = arith.constant 0 : index
    %get3A_57 = vector.load %arg3[%get3A_54, %get3A_55, %get3A_56] : memref<10x1x128xf32, #tpu.memory_space<vmem>>, vector<1x1x128xf32>
    %get3A_58 = vector.shape_cast %get3A_57 : vector<1x1x128xf32> to vector<1x128xf32>
    %add3A_59 = vector.broadcast %get3A_58 : vector<1x128xf32> to vector<2000x128xf32>
    %add3A_60 = arith.addf %dot_general3A_53, %add3A_59 : vector<2000x128xf32>
    %max3A_61 = arith.constant 0.000000e+00 : f32
    %max3A_62 = vector.broadcast %max3A_61 : f32 to vector<2000x128xf32>
    %max3A_63 = arith.maximumf %add3A_60, %max3A_62 : vector<2000x128xf32>
    %get3A_64 = arith.constant 1 : index
    %get3A_65 = arith.constant 0 : index
    %get3A_66 = arith.constant 0 : index
    %get3A_67 = vector.load %arg4[%get3A_64, %get3A_65, %get3A_66] : memref<10x128x128xf32, #tpu.memory_space<vmem>>, vector<1x128x128xf32>
    %get3A_68 = vector.shape_cast %get3A_67 : vector<1x128x128xf32> to vector<128x128xf32>
    %dot_general3A_69 = arith.constant dense<0.000000e+00> : vector<2000x128xf32>
    %dot_general3A_70 = tpu.matmul %max3A_63, %get3A_68, %dot_general3A_69 {dimension_numbers = #tpu.dot_dimension_numbers<[1], [0], [0], [1], [0, 0, 1, 1], [], []>, transpose_lhs_hint = false} : vector<2000x128xf32>, vector<128x128xf32>, vector<2000x128xf32> -> vector<2000x128xf32>
    %get3A_71 = arith.constant 1 : index
    %get3A_72 = arith.constant 0 : index
    %get3A_73 = arith.constant 0 : index
    %get3A_74 = vector.load %arg5[%get3A_71, %get3A_72, %get3A_73] : memref<10x1x128xf32, #tpu.memory_space<vmem>>, vector<1x1x128xf32>
    %get3A_75 = vector.shape_cast %get3A_74 : vector<1x1x128xf32> to vector<1x128xf32>
    %add3A_76 = vector.broadcast %get3A_75 : vector<1x128xf32> to vector<2000x128xf32>
    %add3A_77 = arith.addf %dot_general3A_70, %add3A_76 : vector<2000x128xf32>
    %max3A_78 = arith.constant 0.000000e+00 : f32
    %max3A_79 = vector.broadcast %max3A_78 : f32 to vector<2000x128xf32>
    %max3A_80 = arith.maximumf %add3A_77, %max3A_79 : vector<2000x128xf32>
    %get3A_81 = arith.constant 1 : index
    %get3A_82 = arith.constant 0 : index
    %get3A_83 = arith.constant 0 : index
    %get3A_84 = vector.load %arg6[%get3A_81, %get3A_82, %get3A_83] : memref<10x1x128xf32, #tpu.memory_space<vmem>>, vector<1x1x128xf32>
    %get3A_85 = vector.shape_cast %get3A_84 : vector<1x1x128xf32> to vector<1x128xf32>
    %mul3A_86 = vector.broadcast %get3A_85 : vector<1x128xf32> to vector<2000x128xf32>
    %mul3A_87 = arith.mulf %max3A_80, %mul3A_86 : vector<2000x128xf32>
    %reduce_sum3A_88 = arith.constant dense<0.000000e+00> : vector<2000xf32>
    %reduce_sum3A_89 = vector.multi_reduction <add>, %mul3A_87, %reduce_sum3A_88 [1] : vector<2000x128xf32> to vector<2000xf32>
    %broadcast_in_dim3A_90 = vector.shape_cast %reduce_sum3A_89 : vector<2000xf32> to vector<2000x1xf32>
    %get3A_91 = arith.constant 1 : index
    %get3A_92 = arith.constant 0 : index
    %get3A_93 = arith.constant 0 : index
    %get3A_94 = vector.load %arg7[%get3A_91, %get3A_92, %get3A_93] : memref<10x1x1xf32, #tpu.memory_space<vmem>>, vector<1x1x1xf32>
    %get3A_95 = vector.shape_cast %get3A_94 : vector<1x1x1xf32> to vector<1x1xf32>
    %add3A_96 = vector.broadcast %get3A_95 : vector<1x1xf32> to vector<2000x1xf32>
    %add3A_97 = arith.addf %broadcast_in_dim3A_90, %add3A_96 : vector<2000x1xf32>
    %get3A_98 = arith.constant 2 : index
    %get3A_99 = arith.constant 0 : index
    %get3A_100 = arith.constant 0 : index
    %get3A_101 = vector.load %arg2[%get3A_98, %get3A_99, %get3A_100] : memref<10x128x128xf32, #tpu.memory_space<vmem>>, vector<1x128x128xf32>
    %get3A_102 = vector.shape_cast %get3A_101 : vector<1x128x128xf32> to vector<128x128xf32>
    %dot_general3A_103 = arith.constant dense<0.000000e+00> : vector<2000x128xf32>
    %dot_general3A_104 = tpu.matmul %get3A_1, %get3A_102, %dot_general3A_103 {dimension_numbers = #tpu.dot_dimension_numbers<[1], [0], [0], [1], [0, 0, 1, 1], [], []>, transpose_lhs_hint = false} : vector<2000x128xf32>, vector<128x128xf32>, vector<2000x128xf32> -> vector<2000x128xf32>
    %get3A_105 = arith.constant 2 : index
    %get3A_106 = arith.constant 0 : index
    %get3A_107 = arith.constant 0 : index
    %get3A_108 = vector.load %arg3[%get3A_105, %get3A_106, %get3A_107] : memref<10x1x128xf32, #tpu.memory_space<vmem>>, vector<1x1x128xf32>
    %get3A_109 = vector.shape_cast %get3A_108 : vector<1x1x128xf32> to vector<1x128xf32>
    %add3A_110 = vector.broadcast %get3A_109 : vector<1x128xf32> to vector<2000x128xf32>
    %add3A_111 = arith.addf %dot_general3A_104, %add3A_110 : vector<2000x128xf32>
    %max3A_112 = arith.constant 0.000000e+00 : f32
    %max3A_113 = vector.broadcast %max3A_112 : f32 to vector<2000x128xf32>
    %max3A_114 = arith.maximumf %add3A_111, %max3A_113 : vector<2000x128xf32>
    %get3A_115 = arith.constant 2 : index
    %get3A_116 = arith.constant 0 : index
    %get3A_117 = arith.constant 0 : index
    %get3A_118 = vector.load %arg4[%get3A_115, %get3A_116, %get3A_117] : memref<10x128x128xf32, #tpu.memory_space<vmem>>, vector<1x128x128xf32>
    %get3A_119 = vector.shape_cast %get3A_118 : vector<1x128x128xf32> to vector<128x128xf32>
    %dot_general3A_120 = arith.constant dense<0.000000e+00> : vector<2000x128xf32>
    %dot_general3A_121 = tpu.matmul %max3A_114, %get3A_119, %dot_general3A_120 {dimension_numbers = #tpu.dot_dimension_numbers<[1], [0], [0], [1], [0, 0, 1, 1], [], []>, transpose_lhs_hint = false} : vector<2000x128xf32>, vector<128x128xf32>, vector<2000x128xf32> -> vector<2000x128xf32>
    %get3A_122 = arith.constant 2 : index
    %get3A_123 = arith.constant 0 : index
    %get3A_124 = arith.constant 0 : index
    %get3A_125 = vector.load %arg5[%get3A_122, %get3A_123, %get3A_124] : memref<10x1x128xf32, #tpu.memory_space<vmem>>, vector<1x1x128xf32>
    %get3A_126 = vector.shape_cast %get3A_125 : vector<1x1x128xf32> to vector<1x128xf32>
    %add3A_127 = vector.broadcast %get3A_126 : vector<1x128xf32> to vector<2000x128xf32>
    %add3A_128 = arith.addf %dot_general3A_121, %add3A_127 : vector<2000x128xf32>
    %max3A_129 = arith.constant 0.000000e+00 : f32
    %max3A_130 = vector.broadcast %max3A_129 : f32 to vector<2000x128xf32>
    %max3A_131 = arith.maximumf %add3A_128, %max3A_130 : vector<2000x128xf32>
    %get3A_132 = arith.constant 2 : index
    %get3A_133 = arith.constant 0 : index
    %get3A_134 = arith.constant 0 : index
    %get3A_135 = vector.load %arg6[%get3A_132, %get3A_133, %get3A_134] : memref<10x1x128xf32, #tpu.memory_space<vmem>>, vector<1x1x128xf32>
    %get3A_136 = vector.shape_cast %get3A_135 : vector<1x1x128xf32> to vector<1x128xf32>
    %mul3A_137 = vector.broadcast %get3A_136 : vector<1x128xf32> to vector<2000x128xf32>
    %mul3A_138 = arith.mulf %max3A_131, %mul3A_137 : vector<2000x128xf32>
    %reduce_sum3A_139 = arith.constant dense<0.000000e+00> : vector<2000xf32>
    %reduce_sum3A_140 = vector.multi_reduction <add>, %mul3A_138, %reduce_sum3A_139 [1] : vector<2000x128xf32> to vector<2000xf32>
    %broadcast_in_dim3A_141 = vector.shape_cast %reduce_sum3A_140 : vector<2000xf32> to vector<2000x1xf32>
    %get3A_142 = arith.constant 2 : index
    %get3A_143 = arith.constant 0 : index
    %get3A_144 = arith.constant 0 : index
    %get3A_145 = vector.load %arg7[%get3A_142, %get3A_143, %get3A_144] : memref<10x1x1xf32, #tpu.memory_space<vmem>>, vector<1x1x1xf32>
    %get3A_146 = vector.shape_cast %get3A_145 : vector<1x1x1xf32> to vector<1x1xf32>
    %add3A_147 = vector.broadcast %get3A_146 : vector<1x1xf32> to vector<2000x1xf32>
    %add3A_148 = arith.addf %broadcast_in_dim3A_141, %add3A_147 : vector<2000x1xf32>
    %get3A_149 = arith.constant 3 : index
    %get3A_150 = arith.constant 0 : index
    %get3A_151 = arith.constant 0 : index
    %get3A_152 = vector.load %arg2[%get3A_149, %get3A_150, %get3A_151] : memref<10x128x128xf32, #tpu.memory_space<vmem>>, vector<1x128x128xf32>
    %get3A_153 = vector.shape_cast %get3A_152 : vector<1x128x128xf32> to vector<128x128xf32>
    %dot_general3A_154 = arith.constant dense<0.000000e+00> : vector<2000x128xf32>
    %dot_general3A_155 = tpu.matmul %get3A_1, %get3A_153, %dot_general3A_154 {dimension_numbers = #tpu.dot_dimension_numbers<[1], [0], [0], [1], [0, 0, 1, 1], [], []>, transpose_lhs_hint = false} : vector<2000x128xf32>, vector<128x128xf32>, vector<2000x128xf32> -> vector<2000x128xf32>
    %get3A_156 = arith.constant 3 : index
    %get3A_157 = arith.constant 0 : index
    %get3A_158 = arith.constant 0 : index
    %get3A_159 = vector.load %arg3[%get3A_156, %get3A_157, %get3A_158] : memref<10x1x128xf32, #tpu.memory_space<vmem>>, vector<1x1x128xf32>
    %get3A_160 = vector.shape_cast %get3A_159 : vector<1x1x128xf32> to vector<1x128xf32>
    %add3A_161 = vector.broadcast %get3A_160 : vector<1x128xf32> to vector<2000x128xf32>
    %add3A_162 = arith.addf %dot_general3A_155, %add3A_161 : vector<2000x128xf32>
    %max3A_163 = arith.constant 0.000000e+00 : f32
    %max3A_164 = vector.broadcast %max3A_163 : f32 to vector<2000x128xf32>
    %max3A_165 = arith.maximumf %add3A_162, %max3A_164 : vector<2000x128xf32>
    %get3A_166 = arith.constant 3 : index
    %get3A_167 = arith.constant 0 : index
    %get3A_168 = arith.constant 0 : index
    %get3A_169 = vector.load %arg4[%get3A_166, %get3A_167, %get3A_168] : memref<10x128x128xf32, #tpu.memory_space<vmem>>, vector<1x128x128xf32>
    %get3A_170 = vector.shape_cast %get3A_169 : vector<1x128x128xf32> to vector<128x128xf32>
    %dot_general3A_171 = arith.constant dense<0.000000e+00> : vector<2000x128xf32>
    %dot_general3A_172 = tpu.matmul %max3A_165, %get3A_170, %dot_general3A_171 {dimension_numbers = #tpu.dot_dimension_numbers<[1], [0], [0], [1], [0, 0, 1, 1], [], []>, transpose_lhs_hint = false} : vector<2000x128xf32>, vector<128x128xf32>, vector<2000x128xf32> -> vector<2000x128xf32>
    %get3A_173 = arith.constant 3 : index
    %get3A_174 = arith.constant 0 : index
    %get3A_175 = arith.constant 0 : index
    %get3A_176 = vector.load %arg5[%get3A_173, %get3A_174, %get3A_175] : memref<10x1x128xf32, #tpu.memory_space<vmem>>, vector<1x1x128xf32>
    %get3A_177 = vector.shape_cast %get3A_176 : vector<1x1x128xf32> to vector<1x128xf32>
    %add3A_178 = vector.broadcast %get3A_177 : vector<1x128xf32> to vector<2000x128xf32>
    %add3A_179 = arith.addf %dot_general3A_172, %add3A_178 : vector<2000x128xf32>
    %max3A_180 = arith.constant 0.000000e+00 : f32
    %max3A_181 = vector.broadcast %max3A_180 : f32 to vector<2000x128xf32>
    %max3A_182 = arith.maximumf %add3A_179, %max3A_181 : vector<2000x128xf32>
    %get3A_183 = arith.constant 3 : index
    %get3A_184 = arith.constant 0 : index
    %get3A_185 = arith.constant 0 : index
    %get3A_186 = vector.load %arg6[%get3A_183, %get3A_184, %get3A_185] : memref<10x1x128xf32, #tpu.memory_space<vmem>>, vector<1x1x128xf32>
    %get3A_187 = vector.shape_cast %get3A_186 : vector<1x1x128xf32> to vector<1x128xf32>
    %mul3A_188 = vector.broadcast %get3A_187 : vector<1x128xf32> to vector<2000x128xf32>
    %mul3A_189 = arith.mulf %max3A_182, %mul3A_188 : vector<2000x128xf32>
    %reduce_sum3A_190 = arith.constant dense<0.000000e+00> : vector<2000xf32>
    %reduce_sum3A_191 = vector.multi_reduction <add>, %mul3A_189, %reduce_sum3A_190 [1] : vector<2000x128xf32> to vector<2000xf32>
    %broadcast_in_dim3A_192 = vector.shape_cast %reduce_sum3A_191 : vector<2000xf32> to vector<2000x1xf32>
    %get3A_193 = arith.constant 3 : index
    %get3A_194 = arith.constant 0 : index
    %get3A_195 = arith.constant 0 : index
    %get3A_196 = vector.load %arg7[%get3A_193, %get3A_194, %get3A_195] : memref<10x1x1xf32, #tpu.memory_space<vmem>>, vector<1x1x1xf32>
    %get3A_197 = vector.shape_cast %get3A_196 : vector<1x1x1xf32> to vector<1x1xf32>
    %add3A_198 = vector.broadcast %get3A_197 : vector<1x1xf32> to vector<2000x1xf32>
    %add3A_199 = arith.addf %broadcast_in_dim3A_192, %add3A_198 : vector<2000x1xf32>
    %get3A_200 = arith.constant 4 : index
    %get3A_201 = arith.constant 0 : index
    %get3A_202 = arith.constant 0 : index
    %get3A_203 = vector.load %arg2[%get3A_200, %get3A_201, %get3A_202] : memref<10x128x128xf32, #tpu.memory_space<vmem>>, vector<1x128x128xf32>
    %get3A_204 = vector.shape_cast %get3A_203 : vector<1x128x128xf32> to vector<128x128xf32>
    %dot_general3A_205 = arith.constant dense<0.000000e+00> : vector<2000x128xf32>
    %dot_general3A_206 = tpu.matmul %get3A_1, %get3A_204, %dot_general3A_205 {dimension_numbers = #tpu.dot_dimension_numbers<[1], [0], [0], [1], [0, 0, 1, 1], [], []>, transpose_lhs_hint = false} : vector<2000x128xf32>, vector<128x128xf32>, vector<2000x128xf32> -> vector<2000x128xf32>
    %get3A_207 = arith.constant 4 : index
    %get3A_208 = arith.constant 0 : index
    %get3A_209 = arith.constant 0 : index
    %get3A_210 = vector.load %arg3[%get3A_207, %get3A_208, %get3A_209] : memref<10x1x128xf32, #tpu.memory_space<vmem>>, vector<1x1x128xf32>
    %get3A_211 = vector.shape_cast %get3A_210 : vector<1x1x128xf32> to vector<1x128xf32>
    %add3A_212 = vector.broadcast %get3A_211 : vector<1x128xf32> to vector<2000x128xf32>
    %add3A_213 = arith.addf %dot_general3A_206, %add3A_212 : vector<2000x128xf32>
    %max3A_214 = arith.constant 0.000000e+00 : f32
    %max3A_215 = vector.broadcast %max3A_214 : f32 to vector<2000x128xf32>
    %max3A_216 = arith.maximumf %add3A_213, %max3A_215 : vector<2000x128xf32>
    %get3A_217 = arith.constant 4 : index
    %get3A_218 = arith.constant 0 : index
    %get3A_219 = arith.constant 0 : index
    %get3A_220 = vector.load %arg4[%get3A_217, %get3A_218, %get3A_219] : memref<10x128x128xf32, #tpu.memory_space<vmem>>, vector<1x128x128xf32>
    %get3A_221 = vector.shape_cast %get3A_220 : vector<1x128x128xf32> to vector<128x128xf32>
    %dot_general3A_222 = arith.constant dense<0.000000e+00> : vector<2000x128xf32>
    %dot_general3A_223 = tpu.matmul %max3A_216, %get3A_221, %dot_general3A_222 {dimension_numbers = #tpu.dot_dimension_numbers<[1], [0], [0], [1], [0, 0, 1, 1], [], []>, transpose_lhs_hint = false} : vector<2000x128xf32>, vector<128x128xf32>, vector<2000x128xf32> -> vector<2000x128xf32>
    %get3A_224 = arith.constant 4 : index
    %get3A_225 = arith.constant 0 : index
    %get3A_226 = arith.constant 0 : index
    %get3A_227 = vector.load %arg5[%get3A_224, %get3A_225, %get3A_226] : memref<10x1x128xf32, #tpu.memory_space<vmem>>, vector<1x1x128xf32>
    %get3A_228 = vector.shape_cast %get3A_227 : vector<1x1x128xf32> to vector<1x128xf32>
    %add3A_229 = vector.broadcast %get3A_228 : vector<1x128xf32> to vector<2000x128xf32>
    %add3A_230 = arith.addf %dot_general3A_223, %add3A_229 : vector<2000x128xf32>
    %max3A_231 = arith.constant 0.000000e+00 : f32
    %max3A_232 = vector.broadcast %max3A_231 : f32 to vector<2000x128xf32>
    %max3A_233 = arith.maximumf %add3A_230, %max3A_232 : vector<2000x128xf32>
    %get3A_234 = arith.constant 4 : index
    %get3A_235 = arith.constant 0 : index
    %get3A_236 = arith.constant 0 : index
    %get3A_237 = vector.load %arg6[%get3A_234, %get3A_235, %get3A_236] : memref<10x1x128xf32, #tpu.memory_space<vmem>>, vector<1x1x128xf32>
    %get3A_238 = vector.shape_cast %get3A_237 : vector<1x1x128xf32> to vector<1x128xf32>
    %mul3A_239 = vector.broadcast %get3A_238 : vector<1x128xf32> to vector<2000x128xf32>
    %mul3A_240 = arith.mulf %max3A_233, %mul3A_239 : vector<2000x128xf32>
    %reduce_sum3A_241 = arith.constant dense<0.000000e+00> : vector<2000xf32>
    %reduce_sum3A_242 = vector.multi_reduction <add>, %mul3A_240, %reduce_sum3A_241 [1] : vector<2000x128xf32> to vector<2000xf32>
    %broadcast_in_dim3A_243 = vector.shape_cast %reduce_sum3A_242 : vector<2000xf32> to vector<2000x1xf32>
    %get3A_244 = arith.constant 4 : index
    %get3A_245 = arith.constant 0 : index
    %get3A_246 = arith.constant 0 : index
    %get3A_247 = vector.load %arg7[%get3A_244, %get3A_245, %get3A_246] : memref<10x1x1xf32, #tpu.memory_space<vmem>>, vector<1x1x1xf32>
    %get3A_248 = vector.shape_cast %get3A_247 : vector<1x1x1xf32> to vector<1x1xf32>
    %add3A_249 = vector.broadcast %get3A_248 : vector<1x1xf32> to vector<2000x1xf32>
    %add3A_250 = arith.addf %broadcast_in_dim3A_243, %add3A_249 : vector<2000x1xf32>
    %get3A_251 = arith.constant 5 : index
    %get3A_252 = arith.constant 0 : index
    %get3A_253 = arith.constant 0 : index
    %get3A_254 = vector.load %arg2[%get3A_251, %get3A_252, %get3A_253] : memref<10x128x128xf32, #tpu.memory_space<vmem>>, vector<1x128x128xf32>
    %get3A_255 = vector.shape_cast %get3A_254 : vector<1x128x128xf32> to vector<128x128xf32>
    %dot_general3A_256 = arith.constant dense<0.000000e+00> : vector<2000x128xf32>
    %dot_general3A_257 = tpu.matmul %get3A_1, %get3A_255, %dot_general3A_256 {dimension_numbers = #tpu.dot_dimension_numbers<[1], [0], [0], [1], [0, 0, 1, 1], [], []>, transpose_lhs_hint = false} : vector<2000x128xf32>, vector<128x128xf32>, vector<2000x128xf32> -> vector<2000x128xf32>
    %get3A_258 = arith.constant 5 : index
    %get3A_259 = arith.constant 0 : index
    %get3A_260 = arith.constant 0 : index
    %get3A_261 = vector.load %arg3[%get3A_258, %get3A_259, %get3A_260] : memref<10x1x128xf32, #tpu.memory_space<vmem>>, vector<1x1x128xf32>
    %get3A_262 = vector.shape_cast %get3A_261 : vector<1x1x128xf32> to vector<1x128xf32>
    %add3A_263 = vector.broadcast %get3A_262 : vector<1x128xf32> to vector<2000x128xf32>
    %add3A_264 = arith.addf %dot_general3A_257, %add3A_263 : vector<2000x128xf32>
    %max3A_265 = arith.constant 0.000000e+00 : f32
    %max3A_266 = vector.broadcast %max3A_265 : f32 to vector<2000x128xf32>
    %max3A_267 = arith.maximumf %add3A_264, %max3A_266 : vector<2000x128xf32>
    %get3A_268 = arith.constant 5 : index
    %get3A_269 = arith.constant 0 : index
    %get3A_270 = arith.constant 0 : index
    %get3A_271 = vector.load %arg4[%get3A_268, %get3A_269, %get3A_270] : memref<10x128x128xf32, #tpu.memory_space<vmem>>, vector<1x128x128xf32>
    %get3A_272 = vector.shape_cast %get3A_271 : vector<1x128x128xf32> to vector<128x128xf32>
    %dot_general3A_273 = arith.constant dense<0.000000e+00> : vector<2000x128xf32>
    %dot_general3A_274 = tpu.matmul %max3A_267, %get3A_272, %dot_general3A_273 {dimension_numbers = #tpu.dot_dimension_numbers<[1], [0], [0], [1], [0, 0, 1, 1], [], []>, transpose_lhs_hint = false} : vector<2000x128xf32>, vector<128x128xf32>, vector<2000x128xf32> -> vector<2000x128xf32>
    %get3A_275 = arith.constant 5 : index
    %get3A_276 = arith.constant 0 : index
    %get3A_277 = arith.constant 0 : index
    %get3A_278 = vector.load %arg5[%get3A_275, %get3A_276, %get3A_277] : memref<10x1x128xf32, #tpu.memory_space<vmem>>, vector<1x1x128xf32>
    %get3A_279 = vector.shape_cast %get3A_278 : vector<1x1x128xf32> to vector<1x128xf32>
    %add3A_280 = vector.broadcast %get3A_279 : vector<1x128xf32> to vector<2000x128xf32>
    %add3A_281 = arith.addf %dot_general3A_274, %add3A_280 : vector<2000x128xf32>
    %max3A_282 = arith.constant 0.000000e+00 : f32
    %max3A_283 = vector.broadcast %max3A_282 : f32 to vector<2000x128xf32>
    %max3A_284 = arith.maximumf %add3A_281, %max3A_283 : vector<2000x128xf32>
    %get3A_285 = arith.constant 5 : index
    %get3A_286 = arith.constant 0 : index
    %get3A_287 = arith.constant 0 : index
    %get3A_288 = vector.load %arg6[%get3A_285, %get3A_286, %get3A_287] : memref<10x1x128xf32, #tpu.memory_space<vmem>>, vector<1x1x128xf32>
    %get3A_289 = vector.shape_cast %get3A_288 : vector<1x1x128xf32> to vector<1x128xf32>
    %mul3A_290 = vector.broadcast %get3A_289 : vector<1x128xf32> to vector<2000x128xf32>
    %mul3A_291 = arith.mulf %max3A_284, %mul3A_290 : vector<2000x128xf32>
    %reduce_sum3A_292 = arith.constant dense<0.000000e+00> : vector<2000xf32>
    %reduce_sum3A_293 = vector.multi_reduction <add>, %mul3A_291, %reduce_sum3A_292 [1] : vector<2000x128xf32> to vector<2000xf32>
    %broadcast_in_dim3A_294 = vector.shape_cast %reduce_sum3A_293 : vector<2000xf32> to vector<2000x1xf32>
    %get3A_295 = arith.constant 5 : index
    %get3A_296 = arith.constant 0 : index
    %get3A_297 = arith.constant 0 : index
    %get3A_298 = vector.load %arg7[%get3A_295, %get3A_296, %get3A_297] : memref<10x1x1xf32, #tpu.memory_space<vmem>>, vector<1x1x1xf32>
    %get3A_299 = vector.shape_cast %get3A_298 : vector<1x1x1xf32> to vector<1x1xf32>
    %add3A_300 = vector.broadcast %get3A_299 : vector<1x1xf32> to vector<2000x1xf32>
    %add3A_301 = arith.addf %broadcast_in_dim3A_294, %add3A_300 : vector<2000x1xf32>
    %get3A_302 = arith.constant 6 : index
    %get3A_303 = arith.constant 0 : index
    %get3A_304 = arith.constant 0 : index
    %get3A_305 = vector.load %arg2[%get3A_302, %get3A_303, %get3A_304] : memref<10x128x128xf32, #tpu.memory_space<vmem>>, vector<1x128x128xf32>
    %get3A_306 = vector.shape_cast %get3A_305 : vector<1x128x128xf32> to vector<128x128xf32>
    %dot_general3A_307 = arith.constant dense<0.000000e+00> : vector<2000x128xf32>
    %dot_general3A_308 = tpu.matmul %get3A_1, %get3A_306, %dot_general3A_307 {dimension_numbers = #tpu.dot_dimension_numbers<[1], [0], [0], [1], [0, 0, 1, 1], [], []>, transpose_lhs_hint = false} : vector<2000x128xf32>, vector<128x128xf32>, vector<2000x128xf32> -> vector<2000x128xf32>
    %get3A_309 = arith.constant 6 : index
    %get3A_310 = arith.constant 0 : index
    %get3A_311 = arith.constant 0 : index
    %get3A_312 = vector.load %arg3[%get3A_309, %get3A_310, %get3A_311] : memref<10x1x128xf32, #tpu.memory_space<vmem>>, vector<1x1x128xf32>
    %get3A_313 = vector.shape_cast %get3A_312 : vector<1x1x128xf32> to vector<1x128xf32>
    %add3A_314 = vector.broadcast %get3A_313 : vector<1x128xf32> to vector<2000x128xf32>
    %add3A_315 = arith.addf %dot_general3A_308, %add3A_314 : vector<2000x128xf32>
    %max3A_316 = arith.constant 0.000000e+00 : f32
    %max3A_317 = vector.broadcast %max3A_316 : f32 to vector<2000x128xf32>
    %max3A_318 = arith.maximumf %add3A_315, %max3A_317 : vector<2000x128xf32>
    %get3A_319 = arith.constant 6 : index
    %get3A_320 = arith.constant 0 : index
    %get3A_321 = arith.constant 0 : index
    %get3A_322 = vector.load %arg4[%get3A_319, %get3A_320, %get3A_321] : memref<10x128x128xf32, #tpu.memory_space<vmem>>, vector<1x128x128xf32>
    %get3A_323 = vector.shape_cast %get3A_322 : vector<1x128x128xf32> to vector<128x128xf32>
    %dot_general3A_324 = arith.constant dense<0.000000e+00> : vector<2000x128xf32>
    %dot_general3A_325 = tpu.matmul %max3A_318, %get3A_323, %dot_general3A_324 {dimension_numbers = #tpu.dot_dimension_numbers<[1], [0], [0], [1], [0, 0, 1, 1], [], []>, transpose_lhs_hint = false} : vector<2000x128xf32>, vector<128x128xf32>, vector<2000x128xf32> -> vector<2000x128xf32>
    %get3A_326 = arith.constant 6 : index
    %get3A_327 = arith.constant 0 : index
    %get3A_328 = arith.constant 0 : index
    %get3A_329 = vector.load %arg5[%get3A_326, %get3A_327, %get3A_328] : memref<10x1x128xf32, #tpu.memory_space<vmem>>, vector<1x1x128xf32>
    %get3A_330 = vector.shape_cast %get3A_329 : vector<1x1x128xf32> to vector<1x128xf32>
    %add3A_331 = vector.broadcast %get3A_330 : vector<1x128xf32> to vector<2000x128xf32>
    %add3A_332 = arith.addf %dot_general3A_325, %add3A_331 : vector<2000x128xf32>
    %max3A_333 = arith.constant 0.000000e+00 : f32
    %max3A_334 = vector.broadcast %max3A_333 : f32 to vector<2000x128xf32>
    %max3A_335 = arith.maximumf %add3A_332, %max3A_334 : vector<2000x128xf32>
    %get3A_336 = arith.constant 6 : index
    %get3A_337 = arith.constant 0 : index
    %get3A_338 = arith.constant 0 : index
    %get3A_339 = vector.load %arg6[%get3A_336, %get3A_337, %get3A_338] : memref<10x1x128xf32, #tpu.memory_space<vmem>>, vector<1x1x128xf32>
    %get3A_340 = vector.shape_cast %get3A_339 : vector<1x1x128xf32> to vector<1x128xf32>
    %mul3A_341 = vector.broadcast %get3A_340 : vector<1x128xf32> to vector<2000x128xf32>
    %mul3A_342 = arith.mulf %max3A_335, %mul3A_341 : vector<2000x128xf32>
    %reduce_sum3A_343 = arith.constant dense<0.000000e+00> : vector<2000xf32>
    %reduce_sum3A_344 = vector.multi_reduction <add>, %mul3A_342, %reduce_sum3A_343 [1] : vector<2000x128xf32> to vector<2000xf32>
    %broadcast_in_dim3A_345 = vector.shape_cast %reduce_sum3A_344 : vector<2000xf32> to vector<2000x1xf32>
    %get3A_346 = arith.constant 6 : index
    %get3A_347 = arith.constant 0 : index
    %get3A_348 = arith.constant 0 : index
    %get3A_349 = vector.load %arg7[%get3A_346, %get3A_347, %get3A_348] : memref<10x1x1xf32, #tpu.memory_space<vmem>>, vector<1x1x1xf32>
    %get3A_350 = vector.shape_cast %get3A_349 : vector<1x1x1xf32> to vector<1x1xf32>
    %add3A_351 = vector.broadcast %get3A_350 : vector<1x1xf32> to vector<2000x1xf32>
    %add3A_352 = arith.addf %broadcast_in_dim3A_345, %add3A_351 : vector<2000x1xf32>
    %get3A_353 = arith.constant 7 : index
    %get3A_354 = arith.constant 0 : index
    %get3A_355 = arith.constant 0 : index
    %get3A_356 = vector.load %arg2[%get3A_353, %get3A_354, %get3A_355] : memref<10x128x128xf32, #tpu.memory_space<vmem>>, vector<1x128x128xf32>
    %get3A_357 = vector.shape_cast %get3A_356 : vector<1x128x128xf32> to vector<128x128xf32>
    %dot_general3A_358 = arith.constant dense<0.000000e+00> : vector<2000x128xf32>
    %dot_general3A_359 = tpu.matmul %get3A_1, %get3A_357, %dot_general3A_358 {dimension_numbers = #tpu.dot_dimension_numbers<[1], [0], [0], [1], [0, 0, 1, 1], [], []>, transpose_lhs_hint = false} : vector<2000x128xf32>, vector<128x128xf32>, vector<2000x128xf32> -> vector<2000x128xf32>
    %get3A_360 = arith.constant 7 : index
    %get3A_361 = arith.constant 0 : index
    %get3A_362 = arith.constant 0 : index
    %get3A_363 = vector.load %arg3[%get3A_360, %get3A_361, %get3A_362] : memref<10x1x128xf32, #tpu.memory_space<vmem>>, vector<1x1x128xf32>
    %get3A_364 = vector.shape_cast %get3A_363 : vector<1x1x128xf32> to vector<1x128xf32>
    %add3A_365 = vector.broadcast %get3A_364 : vector<1x128xf32> to vector<2000x128xf32>
    %add3A_366 = arith.addf %dot_general3A_359, %add3A_365 : vector<2000x128xf32>
    %max3A_367 = arith.constant 0.000000e+00 : f32
    %max3A_368 = vector.broadcast %max3A_367 : f32 to vector<2000x128xf32>
    %max3A_369 = arith.maximumf %add3A_366, %max3A_368 : vector<2000x128xf32>
    %get3A_370 = arith.constant 7 : index
    %get3A_371 = arith.constant 0 : index
    %get3A_372 = arith.constant 0 : index
    %get3A_373 = vector.load %arg4[%get3A_370, %get3A_371, %get3A_372] : memref<10x128x128xf32, #tpu.memory_space<vmem>>, vector<1x128x128xf32>
    %get3A_374 = vector.shape_cast %get3A_373 : vector<1x128x128xf32> to vector<128x128xf32>
    %dot_general3A_375 = arith.constant dense<0.000000e+00> : vector<2000x128xf32>
    %dot_general3A_376 = tpu.matmul %max3A_369, %get3A_374, %dot_general3A_375 {dimension_numbers = #tpu.dot_dimension_numbers<[1], [0], [0], [1], [0, 0, 1, 1], [], []>, transpose_lhs_hint = false} : vector<2000x128xf32>, vector<128x128xf32>, vector<2000x128xf32> -> vector<2000x128xf32>
    %get3A_377 = arith.constant 7 : index
    %get3A_378 = arith.constant 0 : index
    %get3A_379 = arith.constant 0 : index
    %get3A_380 = vector.load %arg5[%get3A_377, %get3A_378, %get3A_379] : memref<10x1x128xf32, #tpu.memory_space<vmem>>, vector<1x1x128xf32>
    %get3A_381 = vector.shape_cast %get3A_380 : vector<1x1x128xf32> to vector<1x128xf32>
    %add3A_382 = vector.broadcast %get3A_381 : vector<1x128xf32> to vector<2000x128xf32>
    %add3A_383 = arith.addf %dot_general3A_376, %add3A_382 : vector<2000x128xf32>
    %max3A_384 = arith.constant 0.000000e+00 : f32
    %max3A_385 = vector.broadcast %max3A_384 : f32 to vector<2000x128xf32>
    %max3A_386 = arith.maximumf %add3A_383, %max3A_385 : vector<2000x128xf32>
    %get3A_387 = arith.constant 7 : index
    %get3A_388 = arith.constant 0 : index
    %get3A_389 = arith.constant 0 : index
    %get3A_390 = vector.load %arg6[%get3A_387, %get3A_388, %get3A_389] : memref<10x1x128xf32, #tpu.memory_space<vmem>>, vector<1x1x128xf32>
    %get3A_391 = vector.shape_cast %get3A_390 : vector<1x1x128xf32> to vector<1x128xf32>
    %mul3A_392 = vector.broadcast %get3A_391 : vector<1x128xf32> to vector<2000x128xf32>
    %mul3A_393 = arith.mulf %max3A_386, %mul3A_392 : vector<2000x128xf32>
    %reduce_sum3A_394 = arith.constant dense<0.000000e+00> : vector<2000xf32>
    %reduce_sum3A_395 = vector.multi_reduction <add>, %mul3A_393, %reduce_sum3A_394 [1] : vector<2000x128xf32> to vector<2000xf32>
    %broadcast_in_dim3A_396 = vector.shape_cast %reduce_sum3A_395 : vector<2000xf32> to vector<2000x1xf32>
    %get3A_397 = arith.constant 7 : index
    %get3A_398 = arith.constant 0 : index
    %get3A_399 = arith.constant 0 : index
    %get3A_400 = vector.load %arg7[%get3A_397, %get3A_398, %get3A_399] : memref<10x1x1xf32, #tpu.memory_space<vmem>>, vector<1x1x1xf32>
    %get3A_401 = vector.shape_cast %get3A_400 : vector<1x1x1xf32> to vector<1x1xf32>
    %add3A_402 = vector.broadcast %get3A_401 : vector<1x1xf32> to vector<2000x1xf32>
    %add3A_403 = arith.addf %broadcast_in_dim3A_396, %add3A_402 : vector<2000x1xf32>
    %get3A_404 = arith.constant 8 : index
    %get3A_405 = arith.constant 0 : index
    %get3A_406 = arith.constant 0 : index
    %get3A_407 = vector.load %arg2[%get3A_404, %get3A_405, %get3A_406] : memref<10x128x128xf32, #tpu.memory_space<vmem>>, vector<1x128x128xf32>
    %get3A_408 = vector.shape_cast %get3A_407 : vector<1x128x128xf32> to vector<128x128xf32>
    %dot_general3A_409 = arith.constant dense<0.000000e+00> : vector<2000x128xf32>
    %dot_general3A_410 = tpu.matmul %get3A_1, %get3A_408, %dot_general3A_409 {dimension_numbers = #tpu.dot_dimension_numbers<[1], [0], [0], [1], [0, 0, 1, 1], [], []>, transpose_lhs_hint = false} : vector<2000x128xf32>, vector<128x128xf32>, vector<2000x128xf32> -> vector<2000x128xf32>
    %get3A_411 = arith.constant 8 : index
    %get3A_412 = arith.constant 0 : index
    %get3A_413 = arith.constant 0 : index
    %get3A_414 = vector.load %arg3[%get3A_411, %get3A_412, %get3A_413] : memref<10x1x128xf32, #tpu.memory_space<vmem>>, vector<1x1x128xf32>
    %get3A_415 = vector.shape_cast %get3A_414 : vector<1x1x128xf32> to vector<1x128xf32>
    %add3A_416 = vector.broadcast %get3A_415 : vector<1x128xf32> to vector<2000x128xf32>
    %add3A_417 = arith.addf %dot_general3A_410, %add3A_416 : vector<2000x128xf32>
    %max3A_418 = arith.constant 0.000000e+00 : f32
    %max3A_419 = vector.broadcast %max3A_418 : f32 to vector<2000x128xf32>
    %max3A_420 = arith.maximumf %add3A_417, %max3A_419 : vector<2000x128xf32>
    %get3A_421 = arith.constant 8 : index
    %get3A_422 = arith.constant 0 : index
    %get3A_423 = arith.constant 0 : index
    %get3A_424 = vector.load %arg4[%get3A_421, %get3A_422, %get3A_423] : memref<10x128x128xf32, #tpu.memory_space<vmem>>, vector<1x128x128xf32>
    %get3A_425 = vector.shape_cast %get3A_424 : vector<1x128x128xf32> to vector<128x128xf32>
    %dot_general3A_426 = arith.constant dense<0.000000e+00> : vector<2000x128xf32>
    %dot_general3A_427 = tpu.matmul %max3A_420, %get3A_425, %dot_general3A_426 {dimension_numbers = #tpu.dot_dimension_numbers<[1], [0], [0], [1], [0, 0, 1, 1], [], []>, transpose_lhs_hint = false} : vector<2000x128xf32>, vector<128x128xf32>, vector<2000x128xf32> -> vector<2000x128xf32>
    %get3A_428 = arith.constant 8 : index
    %get3A_429 = arith.constant 0 : index
    %get3A_430 = arith.constant 0 : index
    %get3A_431 = vector.load %arg5[%get3A_428, %get3A_429, %get3A_430] : memref<10x1x128xf32, #tpu.memory_space<vmem>>, vector<1x1x128xf32>
    %get3A_432 = vector.shape_cast %get3A_431 : vector<1x1x128xf32> to vector<1x128xf32>
    %add3A_433 = vector.broadcast %get3A_432 : vector<1x128xf32> to vector<2000x128xf32>
    %add3A_434 = arith.addf %dot_general3A_427, %add3A_433 : vector<2000x128xf32>
    %max3A_435 = arith.constant 0.000000e+00 : f32
    %max3A_436 = vector.broadcast %max3A_435 : f32 to vector<2000x128xf32>
    %max3A_437 = arith.maximumf %add3A_434, %max3A_436 : vector<2000x128xf32>
    %get3A_438 = arith.constant 8 : index
    %get3A_439 = arith.constant 0 : index
    %get3A_440 = arith.constant 0 : index
    %get3A_441 = vector.load %arg6[%get3A_438, %get3A_439, %get3A_440] : memref<10x1x128xf32, #tpu.memory_space<vmem>>, vector<1x1x128xf32>
    %get3A_442 = vector.shape_cast %get3A_441 : vector<1x1x128xf32> to vector<1x128xf32>
    %mul3A_443 = vector.broadcast %get3A_442 : vector<1x128xf32> to vector<2000x128xf32>
    %mul3A_444 = arith.mulf %max3A_437, %mul3A_443 : vector<2000x128xf32>
    %reduce_sum3A_445 = arith.constant dense<0.000000e+00> : vector<2000xf32>
    %reduce_sum3A_446 = vector.multi_reduction <add>, %mul3A_444, %reduce_sum3A_445 [1] : vector<2000x128xf32> to vector<2000xf32>
    %broadcast_in_dim3A_447 = vector.shape_cast %reduce_sum3A_446 : vector<2000xf32> to vector<2000x1xf32>
    %get3A_448 = arith.constant 8 : index
    %get3A_449 = arith.constant 0 : index
    %get3A_450 = arith.constant 0 : index
    %get3A_451 = vector.load %arg7[%get3A_448, %get3A_449, %get3A_450] : memref<10x1x1xf32, #tpu.memory_space<vmem>>, vector<1x1x1xf32>
    %get3A_452 = vector.shape_cast %get3A_451 : vector<1x1x1xf32> to vector<1x1xf32>
    %add3A_453 = vector.broadcast %get3A_452 : vector<1x1xf32> to vector<2000x1xf32>
    %add3A_454 = arith.addf %broadcast_in_dim3A_447, %add3A_453 : vector<2000x1xf32>
    %get3A_455 = arith.constant 9 : index
    %get3A_456 = arith.constant 0 : index
    %get3A_457 = arith.constant 0 : index
    %get3A_458 = vector.load %arg2[%get3A_455, %get3A_456, %get3A_457] : memref<10x128x128xf32, #tpu.memory_space<vmem>>, vector<1x128x128xf32>
    %get3A_459 = vector.shape_cast %get3A_458 : vector<1x128x128xf32> to vector<128x128xf32>
    %dot_general3A_460 = arith.constant dense<0.000000e+00> : vector<2000x128xf32>
    %dot_general3A_461 = tpu.matmul %get3A_1, %get3A_459, %dot_general3A_460 {dimension_numbers = #tpu.dot_dimension_numbers<[1], [0], [0], [1], [0, 0, 1, 1], [], []>, transpose_lhs_hint = false} : vector<2000x128xf32>, vector<128x128xf32>, vector<2000x128xf32> -> vector<2000x128xf32>
    %get3A_462 = arith.constant 9 : index
    %get3A_463 = arith.constant 0 : index
    %get3A_464 = arith.constant 0 : index
    %get3A_465 = vector.load %arg3[%get3A_462, %get3A_463, %get3A_464] : memref<10x1x128xf32, #tpu.memory_space<vmem>>, vector<1x1x128xf32>
    %get3A_466 = vector.shape_cast %get3A_465 : vector<1x1x128xf32> to vector<1x128xf32>
    %add3A_467 = vector.broadcast %get3A_466 : vector<1x128xf32> to vector<2000x128xf32>
    %add3A_468 = arith.addf %dot_general3A_461, %add3A_467 : vector<2000x128xf32>
    %max3A_469 = arith.constant 0.000000e+00 : f32
    %max3A_470 = vector.broadcast %max3A_469 : f32 to vector<2000x128xf32>
    %max3A_471 = arith.maximumf %add3A_468, %max3A_470 : vector<2000x128xf32>
    %get3A_472 = arith.constant 9 : index
    %get3A_473 = arith.constant 0 : index
    %get3A_474 = arith.constant 0 : index
    %get3A_475 = vector.load %arg4[%get3A_472, %get3A_473, %get3A_474] : memref<10x128x128xf32, #tpu.memory_space<vmem>>, vector<1x128x128xf32>
    %get3A_476 = vector.shape_cast %get3A_475 : vector<1x128x128xf32> to vector<128x128xf32>
    %dot_general3A_477 = arith.constant dense<0.000000e+00> : vector<2000x128xf32>
    %dot_general3A_478 = tpu.matmul %max3A_471, %get3A_476, %dot_general3A_477 {dimension_numbers = #tpu.dot_dimension_numbers<[1], [0], [0], [1], [0, 0, 1, 1], [], []>, transpose_lhs_hint = false} : vector<2000x128xf32>, vector<128x128xf32>, vector<2000x128xf32> -> vector<2000x128xf32>
    %get3A_479 = arith.constant 9 : index
    %get3A_480 = arith.constant 0 : index
    %get3A_481 = arith.constant 0 : index
    %get3A_482 = vector.load %arg5[%get3A_479, %get3A_480, %get3A_481] : memref<10x1x128xf32, #tpu.memory_space<vmem>>, vector<1x1x128xf32>
    %get3A_483 = vector.shape_cast %get3A_482 : vector<1x1x128xf32> to vector<1x128xf32>
    %add3A_484 = vector.broadcast %get3A_483 : vector<1x128xf32> to vector<2000x128xf32>
    %add3A_485 = arith.addf %dot_general3A_478, %add3A_484 : vector<2000x128xf32>
    %max3A_486 = arith.constant 0.000000e+00 : f32
    %max3A_487 = vector.broadcast %max3A_486 : f32 to vector<2000x128xf32>
    %max3A_488 = arith.maximumf %add3A_485, %max3A_487 : vector<2000x128xf32>
    %get3A_489 = arith.constant 9 : index
    %get3A_490 = arith.constant 0 : index
    %get3A_491 = arith.constant 0 : index
    %get3A_492 = vector.load %arg6[%get3A_489, %get3A_490, %get3A_491] : memref<10x1x128xf32, #tpu.memory_space<vmem>>, vector<1x1x128xf32>
    %get3A_493 = vector.shape_cast %get3A_492 : vector<1x1x128xf32> to vector<1x128xf32>
    %mul3A_494 = vector.broadcast %get3A_493 : vector<1x128xf32> to vector<2000x128xf32>
    %mul3A_495 = arith.mulf %max3A_488, %mul3A_494 : vector<2000x128xf32>
    %reduce_sum3A_496 = arith.constant dense<0.000000e+00> : vector<2000xf32>
    %reduce_sum3A_497 = vector.multi_reduction <add>, %mul3A_495, %reduce_sum3A_496 [1] : vector<2000x128xf32> to vector<2000xf32>
    %broadcast_in_dim3A_498 = vector.shape_cast %reduce_sum3A_497 : vector<2000xf32> to vector<2000x1xf32>
    %get3A_499 = arith.constant 9 : index
    %get3A_500 = arith.constant 0 : index
    %get3A_501 = arith.constant 0 : index
    %get3A_502 = vector.load %arg7[%get3A_499, %get3A_500, %get3A_501] : memref<10x1x1xf32, #tpu.memory_space<vmem>>, vector<1x1x1xf32>
    %get3A_503 = vector.shape_cast %get3A_502 : vector<1x1x1xf32> to vector<1x1xf32>
    %add3A_504 = vector.broadcast %get3A_503 : vector<1x1xf32> to vector<2000x1xf32>
    %add3A_505 = arith.addf %broadcast_in_dim3A_498, %add3A_504 : vector<2000x1xf32>
    %add3A_506 = arith.addf %add3A_46, %add3A_97 : vector<2000x1xf32>
    %add3A_507 = arith.addf %add3A_506, %add3A_148 : vector<2000x1xf32>
    %add3A_508 = arith.addf %add3A_507, %add3A_199 : vector<2000x1xf32>
    %add3A_509 = arith.addf %add3A_508, %add3A_250 : vector<2000x1xf32>
    %add3A_510 = arith.addf %add3A_509, %add3A_301 : vector<2000x1xf32>
    %add3A_511 = arith.addf %add3A_510, %add3A_352 : vector<2000x1xf32>
    %add3A_512 = arith.addf %add3A_511, %add3A_403 : vector<2000x1xf32>
    %add3A_513 = arith.addf %add3A_512, %add3A_454 : vector<2000x1xf32>
    %add3A_514 = arith.addf %add3A_513, %add3A_505 : vector<2000x1xf32>
    %mul3A_515 = arith.constant 1.000000e-01 : f32
    %mul3A_516 = vector.broadcast %mul3A_515 : f32 to vector<2000x1xf32>
    %mul3A_517 = arith.mulf %add3A_514, %mul3A_516 : vector<2000x1xf32>
    %sub3A = arith.subf %add3A_46, %mul3A_517 : vector<2000x1xf32>
    %integer_pow3A = arith.mulf %sub3A, %sub3A : vector<2000x1xf32>
    %sub3A_518 = arith.subf %add3A_97, %mul3A_517 : vector<2000x1xf32>
    %integer_pow3A_519 = arith.mulf %sub3A_518, %sub3A_518 : vector<2000x1xf32>
    %add3A_520 = arith.addf %integer_pow3A, %integer_pow3A_519 : vector<2000x1xf32>
    %sub3A_521 = arith.subf %add3A_148, %mul3A_517 : vector<2000x1xf32>
    %integer_pow3A_522 = arith.mulf %sub3A_521, %sub3A_521 : vector<2000x1xf32>
    %add3A_523 = arith.addf %add3A_520, %integer_pow3A_522 : vector<2000x1xf32>
    %sub3A_524 = arith.subf %add3A_199, %mul3A_517 : vector<2000x1xf32>
    %integer_pow3A_525 = arith.mulf %sub3A_524, %sub3A_524 : vector<2000x1xf32>
    %add3A_526 = arith.addf %add3A_523, %integer_pow3A_525 : vector<2000x1xf32>
    %sub3A_527 = arith.subf %add3A_250, %mul3A_517 : vector<2000x1xf32>
    %integer_pow3A_528 = arith.mulf %sub3A_527, %sub3A_527 : vector<2000x1xf32>
    %add3A_529 = arith.addf %add3A_526, %integer_pow3A_528 : vector<2000x1xf32>
    %sub3A_530 = arith.subf %add3A_301, %mul3A_517 : vector<2000x1xf32>
    %integer_pow3A_531 = arith.mulf %sub3A_530, %sub3A_530 : vector<2000x1xf32>
    %add3A_532 = arith.addf %add3A_529, %integer_pow3A_531 : vector<2000x1xf32>
    %sub3A_533 = arith.subf %add3A_352, %mul3A_517 : vector<2000x1xf32>
    %integer_pow3A_534 = arith.mulf %sub3A_533, %sub3A_533 : vector<2000x1xf32>
    %add3A_535 = arith.addf %add3A_532, %integer_pow3A_534 : vector<2000x1xf32>
    %sub3A_536 = arith.subf %add3A_403, %mul3A_517 : vector<2000x1xf32>
    %integer_pow3A_537 = arith.mulf %sub3A_536, %sub3A_536 : vector<2000x1xf32>
    %add3A_538 = arith.addf %add3A_535, %integer_pow3A_537 : vector<2000x1xf32>
    %sub3A_539 = arith.subf %add3A_454, %mul3A_517 : vector<2000x1xf32>
    %integer_pow3A_540 = arith.mulf %sub3A_539, %sub3A_539 : vector<2000x1xf32>
    %add3A_541 = arith.addf %add3A_538, %integer_pow3A_540 : vector<2000x1xf32>
    %sub3A_542 = arith.subf %add3A_505, %mul3A_517 : vector<2000x1xf32>
    %integer_pow3A_543 = arith.mulf %sub3A_542, %sub3A_542 : vector<2000x1xf32>
    %add3A_544 = arith.addf %add3A_541, %integer_pow3A_543 : vector<2000x1xf32>
    %swap3A = arith.constant 0 : index
    %swap3A_545 = arith.constant 0 : index
    %swap3A_546 = vector.load %arg8[%swap3A, %swap3A_545] : memref<2000x1xf32, #tpu.memory_space<vmem>>, vector<2000x1xf32>
    tpu.vector_store %arg8[%swap3A, %swap3A_545], %mul3A_517 {strides = array<i32>} : memref<2000x1xf32, #tpu.memory_space<vmem>>, vector<2000x1xf32>,
    %mul3A_547 = arith.constant 1.000000e-01 : f32
    %mul3A_548 = vector.broadcast %mul3A_547 : f32 to vector<2000x1xf32>
    %mul3A_549 = arith.mulf %add3A_544, %mul3A_548 : vector<2000x1xf32>
    %sqrt3A = math.sqrt %mul3A_549 : vector<2000x1xf32>
    %swap3A_550 = arith.constant 0 : index
    %swap3A_551 = arith.constant 0 : index
    %swap3A_552 = vector.load %arg9[%swap3A_550, %swap3A_551] : memref<2000x1xf32, #tpu.memory_space<vmem>>, vector<2000x1xf32>
    tpu.vector_store %arg9[%swap3A_550, %swap3A_551], %sqrt3A {strides = array<i32>} : memref<2000x1xf32, #tpu.memory_space<vmem>>, vector<2000x1xf32>,
    return
  }
  func.func @transform_0(%arg0: i32) -> (i32, i32) {
    %c0_i32 = arith.constant 0 : i32
    %c0_i32_0 = arith.constant 0 : i32
    return %arg0, %c0_i32 : i32, i32
  }
  func.func @transform_1(%arg0: i32) -> (i32, i32, i32) {
    %c0_i32 = arith.constant 0 : i32
    %c0_i32_0 = arith.constant 0 : i32
    %c0_i32_1 = arith.constant 0 : i32
    %c0_i32_2 = arith.constant 0 : i32
    return %c0_i32, %c0_i32_0, %c0_i32_1 : i32, i32, i32
  }
  func.func @transform_2(%arg0: i32) -> (i32, i32, i32) {
    %c0_i32 = arith.constant 0 : i32
    %c0_i32_0 = arith.constant 0 : i32
    %c0_i32_1 = arith.constant 0 : i32
    %c0_i32_2 = arith.constant 0 : i32
    return %c0_i32, %c0_i32_0, %c0_i32_1 : i32, i32, i32
  }
  func.func @transform_3(%arg0: i32) -> (i32, i32, i32) {
    %c0_i32 = arith.constant 0 : i32
    %c0_i32_0 = arith.constant 0 : i32
    %c0_i32_1 = arith.constant 0 : i32
    %c0_i32_2 = arith.constant 0 : i32
    return %c0_i32, %c0_i32_0, %c0_i32_1 : i32, i32, i32
  }
  func.func @transform_4(%arg0: i32) -> (i32, i32, i32) {
    %c0_i32 = arith.constant 0 : i32
    %c0_i32_0 = arith.constant 0 : i32
    %c0_i32_1 = arith.constant 0 : i32
    %c0_i32_2 = arith.constant 0 : i32
    return %c0_i32, %c0_i32_0, %c0_i32_1 : i32, i32, i32
  }
  func.func @transform_5(%arg0: i32) -> (i32, i32, i32) {
    %c0_i32 = arith.constant 0 : i32
    %c0_i32_0 = arith.constant 0 : i32
    %c0_i32_1 = arith.constant 0 : i32
    %c0_i32_2 = arith.constant 0 : i32
    return %c0_i32, %c0_i32_0, %c0_i32_1 : i32, i32, i32
  }
  func.func @transform_6(%arg0: i32) -> (i32, i32, i32) {
    %c0_i32 = arith.constant 0 : i32
    %c0_i32_0 = arith.constant 0 : i32
    %c0_i32_1 = arith.constant 0 : i32
    %c0_i32_2 = arith.constant 0 : i32
    return %c0_i32, %c0_i32_0, %c0_i32_1 : i32, i32, i32
  }
  func.func @transform_7(%arg0: i32) -> (i32, i32) {
    %c0_i32 = arith.constant 0 : i32
    %c0_i32_0 = arith.constant 0 : i32
    return %arg0, %c0_i32 : i32, i32
  }
  func.func @transform_8(%arg0: i32) -> (i32, i32) {
    %c0_i32 = arith.constant 0 : i32
    %c0_i32_0 = arith.constant 0 : i32
    return %arg0, %c0_i32 : i32, i32
  }
}

</mosaic_0001>

<sc_bundles>
// kernel: kernel.12.cloned.1.call-start
scs
__scs_entry_jumppad:
0x0: {  	(pc) =	sbr.rel $0x88, $3  }
0x1: {  	(tag) =	ssettag $0x0;
	lr =	simm.s32 $0x1  }
0x2: {  	[smem:$0x3F8F] =	sst lr;
	_ =	strace $0xD0000000  }
0x3: {  	_ = 	snop  }
0x4: {  	_ = 	snop  }
0x5: {  	_ = 	snop  }
0x6: {  	_ = 	snop  }
0x7: {  	_ = 	snop  }
__scs_overlays_trampoline_lowered:
0x8: {  	[smem:$0x3F9E] =	sst s0  }
0x9: {  	[smem:$0x3F9F] =	sst s1  }
0xa: {  	[smem:$0x3FA0] =	sst s2  }
0xb: {  	[smem:$0x3FA1] =	sst s3  }
0xc: {  	[smem:$0x3FA2] =	sst s4  }
0xd: {  	[smem:$0x3FA3] =	sst s5  }
0xe: {  	[smem:$0x3FA4] =	sst s6  }
0xf: {  	[smem:$0x3FA5] =	sst s7  }
0x10: {  	[smem:$0x3FA6] =	sst s8  }
0x11: {  	[smem:$0x3FA7] =	sst s9;
	s0 =	simm.s32 @!p0 $0x0  }
0x12: {  	s1 =	sld [smem:$0x3F8D];
	s0 =	simm.s32 @p0 $0x1  }
0x13: {  	[smem:$0x3FA8] =	sst s0;
	s0 =	simm.s32 @!p1 $0x0  }
0x14: {  	s2 =	sld [smem:$0x3F8C];
	s0 =	simm.s32 @p1 $0x1  }
0x15: {  	[smem:$0x3FA9] =	sst s0;
	s0 =	simm.s32 @!p2 $0x0  }
0x16: {  	s3 =	sld [smem:$0x3FDB];
	s0 =	simm.s32 @p2 $0x1  }
0x17: {  	s4 =	simm.s32 $0x1BF5;
	[smem:$0x3FAB] =	sst s0  }
0x18: {  	s0 =	sld [smem:$0x3F8E];
	_ =	swait.ge [sflag:s4], $0x0  }
0x19: {  	s7 =	sld [smem:$0x3F8F]  }
0x1a: {  	s8 =	sadd.s32 $0xFFFFE003, lr  }
0x1b: {  	s9 =	sadd.s32 $0xFFFFFEF7, lr;
	s5 =	simm.s32 $0xFFFFFFFF;
	p2 =	slt.u32 s8, $0xFFFFF086  }
0x1c: {  	p1 =	slt.u32 s9, $0xF7A;
	s5 =	simm.s32 @!p2 $0x0  }
0x1d: {  	s5 =	simm.s32 @p1 $0x1;
	p0 =	seq.s32 s7, s2  }
0x1e: {  	s7 =	smul.u32 @!p0 $0xF7A, s2;
	p2 =	seq.s32 @!p0 s5, $0x0  }
0x1f: {  	s9 =	smul.u32 $0xF7A, s1;
	s8 =	simm.s32 @!p0 $0x1BF5;
	p2 =	por !p2, p0  }
0x20: {  	[sflag:s8] =	ssyncset.s32 @!p0 $0xFFFFF086;
	s6 =	sadd.s32 @!p0 s3, s7;
	s7 =	simm.s32 @!p0 $0x108  }
0x21: {  	s3 =	sadd.s32 s3, s9;
	s6 =	sadd.s32 @!p0 $0x88, s6;
	s7 =	simm.s32 @p2 $0x1082  }
0x22: {  	[simem:s7], [sflag:s8] =	dma.local @!p0 [hbm:s6], $0xF7A  }
0x23: {  	s9 =	sor.u32 $0xD0000000, s2;
	s6 =	simm.s32 $0x108;
	_ =	swait.ge @!p0 [sflag:s8], $0x0  }
0x24: {  	s3 =	sadd.s32 $0x88, s3;
	s6 =	simm.s32 @!p1 $0x1082;
	[sflag:s4] =	ssyncset.s32 $0xFFFFF086  }
0x25: {  	[simem:s6], [sflag:s4] =	dma.local [hbm:s3], $0xF7A  }
0x26: {  	[smem:$0x3F8F] =	sst s1;
	(tag) =	ssettag s2;
	_ =	strace s9  }
0x27: {  	s1 =	sld [smem:$0x3F9F]  }
0x28: {  	s2 =	sld [smem:$0x3FA0]  }
0x29: {  	s4 =	sld [smem:$0x3FA2]  }
0x2a: {  	p0 =	seq.s32 s5, $0x0;
	s5 =	sld [smem:$0x3FA3]  }
0x2b: {  	s6 =	sld [smem:$0x3FA4]  }
0x2c: {  	s7 =	sld [smem:$0x3FA5]  }
0x2d: {  	s3 =	simm.s32 $0x108;
	s8 =	sld [smem:$0x3FA6]  }
0x2e: {  	s3 =	simm.s32 @!p0 $0x1082;
	s9 =	sld [smem:$0x3FA7]  }
0x2f: {  	lr =	sadd.s32 s0, s3;
	s0 =	sld [smem:$0x3F9E]  }
0x30: {  	s3 =	sld [smem:$0x3FA1]  }
0x31: {  	[smem:$0x3FAA] =	sst s10  }
0x32: {  	s10 =	sld [smem:$0x3FA8];
	_ =	sdelay $0x3  }
0x33: {  	p0 =	seq.s32 s10, $0x1;
	s10 =	sld [smem:$0x3FAA];
	_ =	sdelay $0x3  }
0x34: {  	[smem:$0x3FAA] =	sst s10  }
0x35: {  	s10 =	sld [smem:$0x3FA9];
	_ =	sdelay $0x3  }
0x36: {  	p1 =	seq.s32 s10, $0x1;
	s10 =	sld [smem:$0x3FAA];
	_ =	sdelay $0x3  }
0x37: {  	[smem:$0x3FAA] =	sst s10  }
0x38: {  	s10 =	sld [smem:$0x3FAB]  }
0x39: {  	_ = 	snop;
	(pc) =	sbr.ind lr, $3  }
0x3a: {  	_ = 	snop  }
0x3b: {  	_ = 	snop  }
0x3c: {  	p2 =	seq.s32 s10, $0x1;
	s10 =	sld [smem:$0x3FAA]  }
0x3d: {  	_ =	shalt  }
0x3e: {  	_ =	shalt  }
0x3f: {  	_ =	shalt  }
0x40: {  	_ =	shalt  }
0x41: {  	_ =	shalt  }
0x42: {  	_ =	shalt  }
0x43: {  	_ =	shalt  }
0x44: {  	_ =	shalt  }
0x45: {  	_ =	shalt  }
0x46: {  	_ =	shalt  }
0x47: {  	_ =	shalt  }
0x48: {  	_ =	shalt  }
0x49: {  	_ =	shalt  }
0x4a: {  	_ =	shalt  }
0x4b: {  	_ =	shalt  }
0x4c: {  	_ =	shalt  }
0x4d: {  	_ =	shalt  }
0x4e: {  	_ =	shalt  }
0x4f: {  	_ =	shalt  }
0x50: {  	_ =	shalt  }
0x51: {  	_ =	shalt  }
0x52: {  	_ =	shalt  }
0x53: {  	_ =	shalt  }
0x54: {  	_ =	shalt  }
0x55: {  	_ =	shalt  }
0x56: {  	_ =	shalt  }
0x57: {  	_ =	shalt  }
0x58: {  	_ =	shalt  }
0x59: {  	_ =	shalt  }
0x5a: {  	_ =	shalt  }
0x5b: {  	_ =	shalt  }
0x5c: {  	_ =	shalt  }
0x5d: {  	_ =	shalt  }
0x5e: {  	_ =	shalt  }
0x5f: {  	_ =	shalt  }
0x60: {  	_ =	shalt  }
0x61: {  	_ =	shalt  }
0x62: {  	_ =	shalt  }
0x63: {  	_ =	shalt  }
0x64: {  	_ =	shalt  }
0x65: {  	_ =	shalt  }
0x66: {  	_ =	shalt  }
0x67: {  	_ =	shalt  }
0x68: {  	_ =	shalt  }
0x69: {  	_ =	shalt  }
0x6a: {  	_ =	shalt  }
0x6b: {  	_ =	shalt  }
0x6c: {  	_ =	shalt  }
0x6d: {  	_ =	shalt  }
0x6e: {  	_ =	shalt  }
0x6f: {  	_ =	shalt  }
0x70: {  	_ =	shalt  }
0x71: {  	_ =	shalt  }
0x72: {  	_ =	shalt  }
0x73: {  	_ =	shalt  }
0x74: {  	_ =	shalt  }
0x75: {  	_ =	shalt  }
0x76: {  	_ =	shalt  }
0x77: {  	_ =	shalt  }
0x78: {  	_ =	shalt  }
0x79: {  	_ =	shalt  }
0x7a: {  	_ =	shalt  }
0x7b: {  	_ =	shalt  }
0x7c: {  	_ =	shalt  }
0x7d: {  	_ =	shalt  }
0x7e: {  	_ =	shalt  }
0x7f: {  	_ =	shalt  }
0x80: {  	_ =	shalt  }
0x81: {  	_ =	shalt  }
0x82: {  	_ =	shalt  }
0x83: {  	_ =	shalt  }
0x84: {  	_ =	shalt  }
0x85: {  	_ =	shalt  }
0x86: {  	_ =	shalt  }
0x87: {  	_ =	shalt  }
.Lfunc_end0:
.L_simem_size_0:
called_computation_lowered:
.L_overlay_start_0:
0x88: {  	s2 =	sld [smem:$0x3FD9]  }
0x89: {  	s3 =	sld [smem:$0x3FFE];
	_ =	sdelay $0x1  }
0x8a: {  	s1 =	srdreg.scid  }
0x8b: {  	s0 =	sand.u32 $0x1, s1  }
0x8c: {  	s16 =	sshll.u32 s0, $0xA;
	s2 =	sadd.s32 s3, s2  }
0x8d: {  	s2 =	sadd.s32 s2, s16  }
0x8e: {  	[smem:$0x3FB6] =	sst s2  }
0x8f: {  	_ = 	snop  }
0x90: {  	(tm) =	ssettm $0x1  }
0x91: {  	s17 =	sld [smem:$0x3FFB];
	_ =	sdelay $0x3  }
0x92: {  	_ =	strace s17  }
0x93: {  	s2 =	sld [smem:$0x3FFC];
	_ =	sdelay $0x3  }
0x94: {  	_ =	strace s2  }
0x95: {  	s2 =	sld [smem:$0x3FFD];
	_ =	sdelay $0x3  }
0x96: {  	_ =	strace s2  }
0x97: {  	_ =	strace $0x8FFFFFFF  }
0x98: {  	s18 =	sld [smem:$0x3FDB];
	_ =	sdelay $0x1  }
0x99: {  	s19 =	simm.s32 $_scs_section_size  }
0x9a: {  	s4 =	simm.s32 $_size__tile_overlayer_lowered;
	s5 =	simm.s32 $_tile_overlayer_lowered  }
0x9b: {  	s22 =	simm.s32 $0x1BFF;
	s21 =	sshll.u32 s5, $0x1;
	s2 =	sadd.s32 s19, s18  }
0x9c: {  	s6 =	simm.s32 $0x0;
	s20 =	sshll.u32 s4, $0x1;
	s4 =	sadd.s32 s21, s2  }
0x9d: {  	[timem:s6], [sflag:s22] =	dma.local [hbm:s4], s20  }
0x9e: {  	_ =	swait.ge [sflag:s22], s20  }
0x9f: {  	s3 =	ssub.s32 $0x0, s20;
	[sflag:s22] =	ssyncset.done $0x0  }
0xa0: {  	[sflag:s22] =	ssyncadd.s32 s3;
	_ =	sdelay $0x1  }
0xa1: {  	s23 =	simm.s32 $0x1B8B  }
0xa2: {  	_ =	swait.ge [sflag:s23], $0x1  }
0xa3: {  	[sflag:s23] =	ssyncset.done $0x0  }
0xa4: {  	s25 =	simm.s32 $0x1B8E;
	s24 =	sld [smem:$0x3FFE];
	[sflag:s23] =	ssyncadd.s32 $0xFFFFFFFF  }
0xa5: {  	s26 =	simm.s32 $execute0_lowered;
	[smem:$0x3FD2] =	sst s25  }
0xa6: {  	s4 =	sshll.u32 s26, $0x1;
	_ =	strace $0x80000046;
	[dreg:$0x1] =	wrdreg $0xFFFFFFFF  }
0xa7: {  	s28 =	simm.s32 $_size_execute0_lowered;
	s2 =	sadd.s32 s2, s4;
	[dreg:$0x0] =	wrdreg $0x0  }
0xa8: {  	s4 =	sshll.u32 s28, $0x1;
	[dreg:$0x2] =	wrdreg s2  }
0xa9: {  	[dreg:$0x3] =	wrdreg s4  }
0xaa: {  	[dreg:$0x4] =	wrdreg $0xC0  }
0xab: {  	_ =	task [dreg:s6], $0x5FFFF  }
0xac: {  	[dreg:$0x1] =	wrdreg $0xFFFFFFFF  }
0xad: {  	[dreg:$0x0] =	wrdreg $0x60  }
0xae: {  	[dreg:$0x2] =	wrdreg s24  }
0xaf: {  	[dreg:$0x3] =	wrdreg $0x90000  }
0xb0: {  	[dreg:$0x4] =	wrdreg $0x9  }
0xb1: {  	_ =	task.clear_ibuf [dreg:s6], $0x5FFFF;
	_ =	strace $0x90000046  }
0xb2: {  	s29 =	simm.s32 $0x9;
	_ =	strace $0x80000048  }
0xb3: {  	_ =	swait.ge [sflag:s29], $0x1  }
0xb4: {  	[sflag:s29] =	ssyncadd.s32 $0xFFFFFFFF  }
0xb5: {  	_ =	strace $0x90000048  }
0xb6: {  	_ =	sfence  }
0xb7: {  	s30 =	sld [smem:$0x0];
	_ =	sdelay $0x2  }
0xb8: {  	s31 =	sshll.u32 s1, $0xD;
	s1 =	sshrl.u32 s1, $0x2  }
0xb9: {  	s3 =	sand.u32 $0x4000, s31;
	s1 =	sadd.s32 s1, s30  }
0xba: {  	s0 =	sor.u32 s3, s0;
	s1 =	sshll.u32 s1, $0x11  }
0xbb: {  	s0 =	sor.u32 s1, s0  }
0xbc: {  	s0 =	sadd.s32 $0x8F2B, s0  }
0xbd: {  	[sflag:s0] =	ssyncadd.remote.s32 $0x1  }
0xbe: {  	_ =	sfence.sel $0xFFFF  }
0xbf: {  	[dreg:$0x0] =	wrdreg $0xFFFFFFFF;
	(pc) =	sbr.abs _section_cstart, $3  }
0xc0: {  	[dreg:$0x1] =	wrdreg $0xFFFFFFFF  }
0xc1: {  	_ =	task.clear_ibuf [dreg:s6], $0x2FFFF;
	_ =	strace $0x9FFFFFFF  }
0xc2: {  	(tm) =	ssettm $0x7FFFFFFF  }
0xc3: {  	_ =	shalt  }
tec
execute0_lowered:
.L_overlay_start_1:
0x0: {  	(tag) =	ssettag $0x1  }
0x1: {  	s6 =	rddreg [dreg:$0x0]  }
0x2: {  	s0 =	srdreg.scid;
	s2 =	rddreg [dreg:$0x1]  }
0x3: {  	s3 =	simm.s32 $0x0;
	s14 =	simm.s32 $0x7D;
	s15 =	simm.s32 $0x5000  }
0x4: {  	s16 =	simm.s32 $0x1;
	s5 =	sand.u32 $0x1, s0;
	s0 =	stileid.u32  }
0x5: {  	s17 =	simm.s32 $0x0;
	[smem:$0x7FF] =	sst s3;
	s8 =	smul.u32 $0x13C000, s5  }
0x6: {  	s4 =	sadd.s32 $0x19600, s6;
	s1 =	sshll.u32 s5, $0x4;
	s9 =	smul.u32 $0x13C00, s0  }
0x7: {  	s30 =	ssub.s32 $0x2, s5;
	s11 =	smul.u32 $0x4E200, s0;
	s5 =	sadd.s32 $0x40800, s6  }
0x8: {  	s12 =	sshll.u32 s0, $0x6;
	s1 =	sor.u32 s0, s1;
	s10 =	sshrl.u32 s30, $0x1  }
0x9: {  	s12 =	sor.u32 $0x1C02, s12;
	s7 =	smul.u32 $0x500, s1;
	s1 =	rddreg [dreg:$0x2]  }
0xa: {  	_ =	strace $0x80000047;
	s8 =	sadd.s32 s9, s8;
	s9 =	ssub.s32 s30, s10  }
0xb: {  	s31 =	sshrl.u32 s11, $0x2;
	s10 =	simm.s32 $0x2;
	s11 =	simm.s32 $0x2800  }
0xc: {  	s8 =	sshrl.u32 s8, $0x3;
	s13 =	sadd.s32 s31, s2;
	s9 =	smax.u32 s9, $0x1  }
0xd: {  	s7 =	sadd.s32 s7, s6;
	s8 =	sadd.s32 s8, s6;
	s13 =	sshrl.u32 s13, $0x3  }
0xe: {  	s6 =	sadd.s32 $0x5600, s7;
	s7 =	sadd.s32 $0xF600, s7;
	s8 =	sadd.s32 $0x43000, s8  }
.LBB2_1:
0xf: {  	[tilespmem:s3], [sflag:$0x2] =	stream.linear.gather [hbm4b:s6+s3], $0x2800, $0x38;
	[tilespmem:$0x1C880] =	vst v63  }
0x10: {  	_ =	swait.ge [sflag:s10], $0x2800  }
0x11: {  	[sflag:s10] =	ssyncset.done $0x0  }
0x12: {  	[sflag:s10] =	ssyncadd.s32 $0xFFFFD800  }
0x13: {  	[tilespmem:s11], [sflag:$0x2] =	stream.linear.gather [hbm4b:s7+s3], $0x2800, $0x38;
	[tilespmem:$0x1C880] =	vst v63  }
0x14: {  	_ =	swait.ge [sflag:s10], $0x2800  }
0x15: {  	[sflag:s10] =	ssyncset.done $0x0  }
0x16: {  	[sflag:s10] =	ssyncadd.s32 $0xFFFFD800  }
0x17: {  	[spmem:s13], [sflag:s12] =	dma.local [hbm:s5], $0x2710  }
0x18: {  	_ =	swait.ge [sflag:s10], $0x2710  }
0x19: {  	[sflag:s10] =	ssyncset.done $0x0  }
0x1a: {  	[sflag:s10] =	ssyncadd.s32 $0xFFFFD8F0  }
0x1b: {  	s18 =	simm.s32 $0x0;
	[bflag:$0x0] =	sbarrier.arrive $0xFFFF  }
0x1c: {  	[tilespmem:s15], [sflag:$0x1] =	stream.indirect.gather [hbm4b:s4+s14], $0x80, s18, s14, $0xb8;
	[tilespmem:$0x1C880] =	vst v63  }
0x1d: {  	_ =	swait.ge [sflag:s16], $0x3E80  }
0x1e: {  	[sflag:s16] =	ssyncset.done $0x0  }
0x1f: {  	s31 =	simm.s32 $0x2800;
	[sflag:s16] =	ssyncadd.s32 $0xFFFFC180  }
0x20: {  	[spmem:s2] =	stream.indirect.scatter.add.f32 [tilespmem:s15], [sflag:$0x2], $0x80, s31, s14, $0xb8;
	[tilespmem:$0x1C880] =	vst v63  }
0x21: {  	_ =	swait.ge [sflag:s10], $0x3E80  }
0x22: {  	s19 =	simm.s32 $0x400;
	s18 =	simm.s32 $0x200;
	[sflag:s10] =	ssyncset.done $0x0  }
.LBB2_2:
0x23: {  	s20 =	sshra.s32 s18, $0x2  }
0x24: {  	[sflag:s10] =	ssyncadd.s32 $0xFFFFC180;
	s18 =	smov.u32 s19;
	s21 =	sadd.s32 $0x200, s19  }
0x25: {  	[tilespmem:s15], [sflag:$0x1] =	stream.indirect.gather [hbm4b:s4+s14], $0x80, s20, s14, $0xb8;
	[tilespmem:$0x1C880] =	vst v63  }
0x26: {  	p0 =	sne.s32 s19, $0x9E00;
	_ =	swait.ge [sflag:s16], $0x3E80  }
.Ltmp0:
0x27: {  	[sflag:s16] =	ssyncset.done $0x0;
	(pc) =	sbr.rel @p0 .LBB2_2-.Ltmp0, $4  }
0x28: {  	s19 =	sadd.s32 $0x2800, s20;
	[sflag:s16] =	ssyncadd.s32 $0xFFFFC180  }
0x29: {  	[spmem:s2] =	stream.indirect.scatter.add.f32 [tilespmem:s15], [sflag:$0x2], $0x80, s19, s14, $0xb8;
	[tilespmem:$0x1C880] =	vst v63  }
0x2a: {  	_ =	swait.ge [sflag:s10], $0x3E80  }
0x2b: {  	s19 =	smov.u32 s21;
	[sflag:s10] =	ssyncset.done $0x0  }
0x2c: {  	s18 =	sshra.s32 s18, $0x2;
	[sflag:s10] =	ssyncadd.s32 $0xFFFFC180  }
0x2d: {  	[tilespmem:s15], [sflag:$0x1] =	stream.indirect.gather [hbm4b:s4+s14], $0x80, s18, s14, $0xb8;
	[tilespmem:$0x1C880] =	vst v63  }
0x2e: {  	_ =	swait.ge [sflag:s16], $0x3E80  }
0x2f: {  	[sflag:s16] =	ssyncset.done $0x0  }
0x30: {  	s18 =	sadd.s32 $0x2800, s18;
	[sflag:s16] =	ssyncadd.s32 $0xFFFFC180  }
0x31: {  	[spmem:s2] =	stream.indirect.scatter.add.f32 [tilespmem:s15], [sflag:$0x2], $0x80, s18, s14, $0xb8;
	[tilespmem:$0x1C880] =	vst v63  }
0x32: {  	_ =	swait.ge [sflag:s10], $0x3E80  }
0x33: {  	s17 =	sadd.s32 $0x1, s17;
	[sflag:s10] =	ssyncset.done $0x0  }
0x34: {  	p0 =	sne.s32 s17, s9;
	[sflag:s10] =	ssyncadd.s32 $0xFFFFC180  }
.Ltmp1:
0x35: {  	[bflag:$0x0] =	sbarrier.arrive $0xFFFF;
	(pc) =	sbr.rel @p0 .LBB2_1-.Ltmp1, $4  }
0x36: {  	[hbm:s8], [sflag:s12] =	dma.local [spmem:s13], $0x2710  }
0x37: {  	_ =	swait.ge [sflag:s10], $0x2710  }
0x38: {  	[sflag:s10] =	ssyncset.done $0x0  }
0x39: {  	[sflag:s10] =	ssyncadd.s32 $0xFFFFD8F0  }
0x3a: {  	_ =	sfence.sel $0x180000  }
0x3b: {  	[bflag:$0x0] =	sbarrier.arrive $0xFFFF  }
0x3c: {  	p0 =	sne.s32 s0, $0x0;
	_ =	strace $0x90000047  }
0x3d: {  	s0 =	sadd.s32 @!p0 $0x100000, s1;
	[bflag:$0x2] =	sbarrier.arrive $0xFFFF  }
0x3e: {  	[sflag:s0] =	ssyncadd.tile.s32 @!p0 $0x1;
	_ =	shalt  }
.Lfunc_end2:
_tile_overlayer_lowered:
.L_overlay_start_2:
0x3f: {  	(tag) =	ssettag $0x2  }
0x40: {  	s0 =	rddreg [dreg:$0x0];
	s2 =	stileid.u32  }
0x41: {  	s1 =	rddreg [dreg:$0x1];
	p0 =	sne.s32 s2, $0x0  }
0x42: {  	s3 =	rddreg [dreg:$0x2];
	[bflag:$0x3] =	sbarrier.arrive $0xFFFF;
	s2 =	simm.s32 @!p0 $0x1C02  }
0x43: {  	[timem:s3], [sflag:s2] =	dma.local @!p0 [hbm:s0], s1  }
0x44: {  	s0 =	simm.s32 @!p0 $0x2  }
0x45: {  	_ =	swait.ge @!p0 [sflag:s0], s1  }
0x46: {  	s1 =	ssub.s32 @!p0 $0x0, s1;
	[sflag:s0] =	ssyncset.done @!p0 $0x0  }
0x47: {  	[sflag:s0] =	ssyncadd.s32 @!p0 s1  }
0x48: {  	[bflag:$0x3] =	sbarrier.arrive $0xFFFF  }
0x49: {  	_ =	shalt  }

// kernel: kernel.15.cloned.1.call-start
scs
__scs_entry_jumppad:
0x0: {  	(pc) =	sbr.rel $0x88, $3  }
0x1: {  	(tag) =	ssettag $0x0;
	lr =	simm.s32 $0x1  }
0x2: {  	[smem:$0x3F8F] =	sst lr;
	_ =	strace $0xD0000000  }
0x3: {  	_ = 	snop  }
0x4: {  	_ = 	snop  }
0x5: {  	_ = 	snop  }
0x6: {  	_ = 	snop  }
0x7: {  	_ = 	snop  }
__scs_overlays_trampoline_lowered:
0x8: {  	[smem:$0x3F9E] =	sst s0  }
0x9: {  	[smem:$0x3F9F] =	sst s1  }
0xa: {  	[smem:$0x3FA0] =	sst s2  }
0xb: {  	[smem:$0x3FA1] =	sst s3  }
0xc: {  	[smem:$0x3FA2] =	sst s4  }
0xd: {  	[smem:$0x3FA3] =	sst s5  }
0xe: {  	[smem:$0x3FA4] =	sst s6  }
0xf: {  	[smem:$0x3FA5] =	sst s7  }
0x10: {  	[smem:$0x3FA6] =	sst s8  }
0x11: {  	[smem:$0x3FA7] =	sst s9;
	s0 =	simm.s32 @!p0 $0x0  }
0x12: {  	s1 =	sld [smem:$0x3F8D];
	s0 =	simm.s32 @p0 $0x1  }
0x13: {  	[smem:$0x3FA8] =	sst s0;
	s0 =	simm.s32 @!p1 $0x0  }
0x14: {  	s2 =	sld [smem:$0x3F8C];
	s0 =	simm.s32 @p1 $0x1  }
0x15: {  	[smem:$0x3FA9] =	sst s0;
	s0 =	simm.s32 @!p2 $0x0  }
0x16: {  	s3 =	sld [smem:$0x3FDB];
	s0 =	simm.s32 @p2 $0x1  }
0x17: {  	s4 =	simm.s32 $0x1BF5;
	[smem:$0x3FAB] =	sst s0  }
0x18: {  	s0 =	sld [smem:$0x3F8E];
	_ =	swait.ge [sflag:s4], $0x0  }
0x19: {  	s7 =	sld [smem:$0x3F8F]  }
0x1a: {  	s8 =	sadd.s32 $0xFFFFE003, lr  }
0x1b: {  	s9 =	sadd.s32 $0xFFFFFEF7, lr;
	s5 =	simm.s32 $0xFFFFFFFF;
	p2 =	slt.u32 s8, $0xFFFFF086  }
0x1c: {  	p1 =	slt.u32 s9, $0xF7A;
	s5 =	simm.s32 @!p2 $0x0  }
0x1d: {  	s5 =	simm.s32 @p1 $0x1;
	p0 =	seq.s32 s7, s2  }
0x1e: {  	s7 =	smul.u32 @!p0 $0xF7A, s2;
	p2 =	seq.s32 @!p0 s5, $0x0  }
0x1f: {  	s9 =	smul.u32 $0xF7A, s1;
	s8 =	simm.s32 @!p0 $0x1BF5;
	p2 =	por !p2, p0  }
0x20: {  	[sflag:s8] =	ssyncset.s32 @!p0 $0xFFFFF086;
	s6 =	sadd.s32 @!p0 s3, s7;
	s7 =	simm.s32 @!p0 $0x108  }
0x21: {  	s3 =	sadd.s32 s3, s9;
	s6 =	sadd.s32 @!p0 $0x88, s6;
	s7 =	simm.s32 @p2 $0x1082  }
0x22: {  	[simem:s7], [sflag:s8] =	dma.local @!p0 [hbm:s6], $0xF7A  }
0x23: {  	s9 =	sor.u32 $0xD0000000, s2;
	s6 =	simm.s32 $0x108;
	_ =	swait.ge @!p0 [sflag:s8], $0x0  }
0x24: {  	s3 =	sadd.s32 $0x88, s3;
	s6 =	simm.s32 @!p1 $0x1082;
	[sflag:s4] =	ssyncset.s32 $0xFFFFF086  }
0x25: {  	[simem:s6], [sflag:s4] =	dma.local [hbm:s3], $0xF7A  }
0x26: {  	[smem:$0x3F8F] =	sst s1;
	(tag) =	ssettag s2;
	_ =	strace s9  }
0x27: {  	s1 =	sld [smem:$0x3F9F]  }
0x28: {  	s2 =	sld [smem:$0x3FA0]  }
0x29: {  	s4 =	sld [smem:$0x3FA2]  }
0x2a: {  	p0 =	seq.s32 s5, $0x0;
	s5 =	sld [smem:$0x3FA3]  }
0x2b: {  	s6 =	sld [smem:$0x3FA4]  }
0x2c: {  	s7 =	sld [smem:$0x3FA5]  }
0x2d: {  	s3 =	simm.s32 $0x108;
	s8 =	sld [smem:$0x3FA6]  }
0x2e: {  	s3 =	simm.s32 @!p0 $0x1082;
	s9 =	sld [smem:$0x3FA7]  }
0x2f: {  	lr =	sadd.s32 s0, s3;
	s0 =	sld [smem:$0x3F9E]  }
0x30: {  	s3 =	sld [smem:$0x3FA1]  }
0x31: {  	[smem:$0x3FAA] =	sst s10  }
0x32: {  	s10 =	sld [smem:$0x3FA8];
	_ =	sdelay $0x3  }
0x33: {  	p0 =	seq.s32 s10, $0x1;
	s10 =	sld [smem:$0x3FAA];
	_ =	sdelay $0x3  }
0x34: {  	[smem:$0x3FAA] =	sst s10  }
0x35: {  	s10 =	sld [smem:$0x3FA9];
	_ =	sdelay $0x3  }
0x36: {  	p1 =	seq.s32 s10, $0x1;
	s10 =	sld [smem:$0x3FAA];
	_ =	sdelay $0x3  }
0x37: {  	[smem:$0x3FAA] =	sst s10  }
0x38: {  	s10 =	sld [smem:$0x3FAB]  }
0x39: {  	_ = 	snop;
	(pc) =	sbr.ind lr, $3  }
0x3a: {  	_ = 	snop  }
0x3b: {  	_ = 	snop  }
0x3c: {  	p2 =	seq.s32 s10, $0x1;
	s10 =	sld [smem:$0x3FAA]  }
0x3d: {  	_ =	shalt  }
0x3e: {  	_ =	shalt  }
0x3f: {  	_ =	shalt  }
0x40: {  	_ =	shalt  }
0x41: {  	_ =	shalt  }
0x42: {  	_ =	shalt  }
0x43: {  	_ =	shalt  }
0x44: {  	_ =	shalt  }
0x45: {  	_ =	shalt  }
0x46: {  	_ =	shalt  }
0x47: {  	_ =	shalt  }
0x48: {  	_ =	shalt  }
0x49: {  	_ =	shalt  }
0x4a: {  	_ =	shalt  }
0x4b: {  	_ =	shalt  }
0x4c: {  	_ =	shalt  }
0x4d: {  	_ =	shalt  }
0x4e: {  	_ =	shalt  }
0x4f: {  	_ =	shalt  }
0x50: {  	_ =	shalt  }
0x51: {  	_ =	shalt  }
0x52: {  	_ =	shalt  }
0x53: {  	_ =	shalt  }
0x54: {  	_ =	shalt  }
0x55: {  	_ =	shalt  }
0x56: {  	_ =	shalt  }
0x57: {  	_ =	shalt  }
0x58: {  	_ =	shalt  }
0x59: {  	_ =	shalt  }
0x5a: {  	_ =	shalt  }
0x5b: {  	_ =	shalt  }
0x5c: {  	_ =	shalt  }
0x5d: {  	_ =	shalt  }
0x5e: {  	_ =	shalt  }
0x5f: {  	_ =	shalt  }
0x60: {  	_ =	shalt  }
0x61: {  	_ =	shalt  }
0x62: {  	_ =	shalt  }
0x63: {  	_ =	shalt  }
0x64: {  	_ =	shalt  }
0x65: {  	_ =	shalt  }
0x66: {  	_ =	shalt  }
0x67: {  	_ =	shalt  }
0x68: {  	_ =	shalt  }
0x69: {  	_ =	shalt  }
0x6a: {  	_ =	shalt  }
0x6b: {  	_ =	shalt  }
0x6c: {  	_ =	shalt  }
0x6d: {  	_ =	shalt  }
0x6e: {  	_ =	shalt  }
0x6f: {  	_ =	shalt  }
0x70: {  	_ =	shalt  }
0x71: {  	_ =	shalt  }
0x72: {  	_ =	shalt  }
0x73: {  	_ =	shalt  }
0x74: {  	_ =	shalt  }
0x75: {  	_ =	shalt  }
0x76: {  	_ =	shalt  }
0x77: {  	_ =	shalt  }
0x78: {  	_ =	shalt  }
0x79: {  	_ =	shalt  }
0x7a: {  	_ =	shalt  }
0x7b: {  	_ =	shalt  }
0x7c: {  	_ =	shalt  }
0x7d: {  	_ =	shalt  }
0x7e: {  	_ =	shalt  }
0x7f: {  	_ =	shalt  }
0x80: {  	_ =	shalt  }
0x81: {  	_ =	shalt  }
0x82: {  	_ =	shalt  }
0x83: {  	_ =	shalt  }
0x84: {  	_ =	shalt  }
0x85: {  	_ =	shalt  }
0x86: {  	_ =	shalt  }
0x87: {  	_ =	shalt  }
.Lfunc_end0:
.L_simem_size_0:
called_computation.1_lowered:
.L_overlay_start_0:
0x88: {  	s2 =	sld [smem:$0x3FD9]  }
0x89: {  	s3 =	sld [smem:$0x3FFE];
	_ =	sdelay $0x1  }
0x8a: {  	s1 =	srdreg.scid  }
0x8b: {  	s0 =	sand.u32 $0x1, s1  }
0x8c: {  	s16 =	sshll.u32 s0, $0xA;
	s2 =	sadd.s32 s3, s2  }
0x8d: {  	s2 =	sadd.s32 s2, s16  }
0x8e: {  	[smem:$0x3FB6] =	sst s2  }
0x8f: {  	_ = 	snop  }
0x90: {  	(tm) =	ssettm $0x1  }
0x91: {  	s17 =	sld [smem:$0x3FFB];
	_ =	sdelay $0x3  }
0x92: {  	_ =	strace s17  }
0x93: {  	s2 =	sld [smem:$0x3FFC];
	_ =	sdelay $0x3  }
0x94: {  	_ =	strace s2  }
0x95: {  	s2 =	sld [smem:$0x3FFD];
	_ =	sdelay $0x3  }
0x96: {  	_ =	strace s2  }
0x97: {  	_ =	strace $0x8FFFFFFF  }
0x98: {  	s18 =	sld [smem:$0x3FDB];
	_ =	sdelay $0x1  }
0x99: {  	s19 =	simm.s32 $_scs_section_size  }
0x9a: {  	s4 =	simm.s32 $_size__tile_overlayer_lowered;
	s5 =	simm.s32 $_tile_overlayer_lowered  }
0x9b: {  	s22 =	simm.s32 $0x1BFF;
	s21 =	sshll.u32 s5, $0x1;
	s2 =	sadd.s32 s19, s18  }
0x9c: {  	s6 =	simm.s32 $0x0;
	s20 =	sshll.u32 s4, $0x1;
	s4 =	sadd.s32 s21, s2  }
0x9d: {  	[timem:s6], [sflag:s22] =	dma.local [hbm:s4], s20  }
0x9e: {  	_ =	swait.ge [sflag:s22], s20  }
0x9f: {  	s3 =	ssub.s32 $0x0, s20;
	[sflag:s22] =	ssyncset.done $0x0  }
0xa0: {  	[sflag:s22] =	ssyncadd.s32 s3;
	_ =	sdelay $0x1  }
0xa1: {  	s23 =	simm.s32 $0x1B8B  }
0xa2: {  	_ =	swait.ge [sflag:s23], $0x1  }
0xa3: {  	[sflag:s23] =	ssyncset.done $0x0  }
0xa4: {  	s25 =	simm.s32 $0x1B8E;
	s24 =	sld [smem:$0x3FFE];
	[sflag:s23] =	ssyncadd.s32 $0xFFFFFFFF  }
0xa5: {  	s26 =	simm.s32 $execute0_lowered;
	[smem:$0x3FD2] =	sst s25  }
0xa6: {  	s4 =	sshll.u32 s26, $0x1;
	_ =	strace $0x80000049;
	[dreg:$0x1] =	wrdreg $0xFFFFFFFF  }
0xa7: {  	s28 =	simm.s32 $_size_execute0_lowered;
	s2 =	sadd.s32 s2, s4;
	[dreg:$0x0] =	wrdreg $0x0  }
0xa8: {  	s4 =	sshll.u32 s28, $0x1;
	[dreg:$0x2] =	wrdreg s2  }
0xa9: {  	[dreg:$0x3] =	wrdreg s4  }
0xaa: {  	[dreg:$0x4] =	wrdreg $0xC0  }
0xab: {  	_ =	task [dreg:s6], $0x5FFFF  }
0xac: {  	[dreg:$0x1] =	wrdreg $0xFFFFFFFF  }
0xad: {  	[dreg:$0x0] =	wrdreg $0x60  }
0xae: {  	[dreg:$0x2] =	wrdreg s24  }
0xaf: {  	[dreg:$0x3] =	wrdreg $0x90000  }
0xb0: {  	[dreg:$0x4] =	wrdreg $0x9  }
0xb1: {  	_ =	task.clear_ibuf [dreg:s6], $0x5FFFF;
	_ =	strace $0x90000049  }
0xb2: {  	s29 =	simm.s32 $0x9;
	_ =	strace $0x8000004B  }
0xb3: {  	_ =	swait.ge [sflag:s29], $0x1  }
0xb4: {  	[sflag:s29] =	ssyncadd.s32 $0xFFFFFFFF  }
0xb5: {  	_ =	strace $0x9000004B  }
0xb6: {  	_ =	sfence  }
0xb7: {  	s30 =	sld [smem:$0x0];
	_ =	sdelay $0x2  }
0xb8: {  	s31 =	sshll.u32 s1, $0xD;
	s1 =	sshrl.u32 s1, $0x2  }
0xb9: {  	s3 =	sand.u32 $0x4000, s31;
	s1 =	sadd.s32 s1, s30  }
0xba: {  	s0 =	sor.u32 s3, s0;
	s1 =	sshll.u32 s1, $0x11  }
0xbb: {  	s0 =	sor.u32 s1, s0  }
0xbc: {  	s0 =	sadd.s32 $0x8F2B, s0  }
0xbd: {  	[sflag:s0] =	ssyncadd.remote.s32 $0x1  }
0xbe: {  	_ =	sfence.sel $0xFFFF  }
0xbf: {  	[dreg:$0x0] =	wrdreg $0xFFFFFFFF;
	(pc) =	sbr.abs _section_cstart, $3  }
0xc0: {  	[dreg:$0x1] =	wrdreg $0xFFFFFFFF  }
0xc1: {  	_ =	task.clear_ibuf [dreg:s6], $0x2FFFF;
	_ =	strace $0x9FFFFFFF  }
0xc2: {  	(tm) =	ssettm $0x7FFFFFFF  }
0xc3: {  	_ =	shalt  }
tec
execute0_lowered:
.L_overlay_start_1:
0x0: {  	(tag) =	ssettag $0x1  }
0x1: {  	s6 =	rddreg [dreg:$0x0]  }
0x2: {  	s0 =	srdreg.scid;
	s2 =	rddreg [dreg:$0x1]  }
0x3: {  	s3 =	simm.s32 $0x0;
	s14 =	simm.s32 $0x7D;
	s15 =	simm.s32 $0x5000  }
0x4: {  	s16 =	simm.s32 $0x1;
	s5 =	sand.u32 $0x1, s0;
	s0 =	stileid.u32  }
0x5: {  	s17 =	simm.s32 $0x0;
	[smem:$0x7FF] =	sst s3;
	s8 =	smul.u32 $0x13C000, s5  }
0x6: {  	s4 =	sadd.s32 $0x19600, s6;
	s1 =	sshll.u32 s5, $0x4;
	s9 =	smul.u32 $0x13C00, s0  }
0x7: {  	s30 =	ssub.s32 $0x2, s5;
	s11 =	smul.u32 $0x4E200, s0;
	s5 =	sadd.s32 $0x40800, s6  }
0x8: {  	s12 =	sshll.u32 s0, $0x6;
	s1 =	sor.u32 s0, s1;
	s10 =	sshrl.u32 s30, $0x1  }
0x9: {  	s12 =	sor.u32 $0x1C02, s12;
	s7 =	smul.u32 $0x500, s1;
	s1 =	rddreg [dreg:$0x2]  }
0xa: {  	_ =	strace $0x8000004A;
	s8 =	sadd.s32 s9, s8;
	s9 =	ssub.s32 s30, s10  }
0xb: {  	s31 =	sshrl.u32 s11, $0x2;
	s10 =	simm.s32 $0x2;
	s11 =	simm.s32 $0x2800  }
0xc: {  	s8 =	sshrl.u32 s8, $0x3;
	s13 =	sadd.s32 s31, s2;
	s9 =	smax.u32 s9, $0x1  }
0xd: {  	s7 =	sadd.s32 s7, s6;
	s8 =	sadd.s32 s8, s6;
	s13 =	sshrl.u32 s13, $0x3  }
0xe: {  	s6 =	sadd.s32 $0x5600, s7;
	s7 =	sadd.s32 $0xF600, s7;
	s8 =	sadd.s32 $0x43000, s8  }
.LBB2_1:
0xf: {  	[tilespmem:s3], [sflag:$0x2] =	stream.linear.gather [hbm4b:s6+s3], $0x2800, $0x38;
	[tilespmem:$0x1C880] =	vst v63  }
0x10: {  	_ =	swait.ge [sflag:s10], $0x2800  }
0x11: {  	[sflag:s10] =	ssyncset.done $0x0  }
0x12: {  	[sflag:s10] =	ssyncadd.s32 $0xFFFFD800  }
0x13: {  	[tilespmem:s11], [sflag:$0x2] =	stream.linear.gather [hbm4b:s7+s3], $0x2800, $0x38;
	[tilespmem:$0x1C880] =	vst v63  }
0x14: {  	_ =	swait.ge [sflag:s10], $0x2800  }
0x15: {  	[sflag:s10] =	ssyncset.done $0x0  }
0x16: {  	[sflag:s10] =	ssyncadd.s32 $0xFFFFD800  }
0x17: {  	[spmem:s13], [sflag:s12] =	dma.local [hbm:s5], $0x2710  }
0x18: {  	_ =	swait.ge [sflag:s10], $0x2710  }
0x19: {  	[sflag:s10] =	ssyncset.done $0x0  }
0x1a: {  	[sflag:s10] =	ssyncadd.s32 $0xFFFFD8F0  }
0x1b: {  	s18 =	simm.s32 $0x0;
	[bflag:$0x0] =	sbarrier.arrive $0xFFFF  }
0x1c: {  	[tilespmem:s15], [sflag:$0x1] =	stream.indirect.gather [hbm4b:s4+s14], $0x80, s18, s14, $0xb8;
	[tilespmem:$0x1C880] =	vst v63  }
0x1d: {  	_ =	swait.ge [sflag:s16], $0x3E80  }
0x1e: {  	[sflag:s16] =	ssyncset.done $0x0  }
0x1f: {  	s31 =	simm.s32 $0x2800;
	[sflag:s16] =	ssyncadd.s32 $0xFFFFC180  }
0x20: {  	[spmem:s2] =	stream.indirect.scatter.add.f32 [tilespmem:s15], [sflag:$0x2], $0x80, s31, s14, $0xb8;
	[tilespmem:$0x1C880] =	vst v63  }
0x21: {  	_ =	swait.ge [sflag:s10], $0x3E80  }
0x22: {  	s19 =	simm.s32 $0x400;
	s18 =	simm.s32 $0x200;
	[sflag:s10] =	ssyncset.done $0x0  }
.LBB2_2:
0x23: {  	s20 =	sshra.s32 s18, $0x2  }
0x24: {  	[sflag:s10] =	ssyncadd.s32 $0xFFFFC180;
	s18 =	smov.u32 s19;
	s21 =	sadd.s32 $0x200, s19  }
0x25: {  	[tilespmem:s15], [sflag:$0x1] =	stream.indirect.gather [hbm4b:s4+s14], $0x80, s20, s14, $0xb8;
	[tilespmem:$0x1C880] =	vst v63  }
0x26: {  	p0 =	sne.s32 s19, $0x9E00;
	_ =	swait.ge [sflag:s16], $0x3E80  }
.Ltmp0:
0x27: {  	[sflag:s16] =	ssyncset.done $0x0;
	(pc) =	sbr.rel @p0 .LBB2_2-.Ltmp0, $4  }
0x28: {  	s19 =	sadd.s32 $0x2800, s20;
	[sflag:s16] =	ssyncadd.s32 $0xFFFFC180  }
0x29: {  	[spmem:s2] =	stream.indirect.scatter.add.f32 [tilespmem:s15], [sflag:$0x2], $0x80, s19, s14, $0xb8;
	[tilespmem:$0x1C880] =	vst v63  }
0x2a: {  	_ =	swait.ge [sflag:s10], $0x3E80  }
0x2b: {  	s19 =	smov.u32 s21;
	[sflag:s10] =	ssyncset.done $0x0  }
0x2c: {  	s18 =	sshra.s32 s18, $0x2;
	[sflag:s10] =	ssyncadd.s32 $0xFFFFC180  }
0x2d: {  	[tilespmem:s15], [sflag:$0x1] =	stream.indirect.gather [hbm4b:s4+s14], $0x80, s18, s14, $0xb8;
	[tilespmem:$0x1C880] =	vst v63  }
0x2e: {  	_ =	swait.ge [sflag:s16], $0x3E80  }
0x2f: {  	[sflag:s16] =	ssyncset.done $0x0  }
0x30: {  	s18 =	sadd.s32 $0x2800, s18;
	[sflag:s16] =	ssyncadd.s32 $0xFFFFC180  }
0x31: {  	[spmem:s2] =	stream.indirect.scatter.add.f32 [tilespmem:s15], [sflag:$0x2], $0x80, s18, s14, $0xb8;
	[tilespmem:$0x1C880] =	vst v63  }
0x32: {  	_ =	swait.ge [sflag:s10], $0x3E80  }
0x33: {  	s17 =	sadd.s32 $0x1, s17;
	[sflag:s10] =	ssyncset.done $0x0  }
0x34: {  	p0 =	sne.s32 s17, s9;
	[sflag:s10] =	ssyncadd.s32 $0xFFFFC180  }
.Ltmp1:
0x35: {  	[bflag:$0x0] =	sbarrier.arrive $0xFFFF;
	(pc) =	sbr.rel @p0 .LBB2_1-.Ltmp1, $4  }
0x36: {  	[hbm:s8], [sflag:s12] =	dma.local [spmem:s13], $0x2710  }
0x37: {  	_ =	swait.ge [sflag:s10], $0x2710  }
0x38: {  	[sflag:s10] =	ssyncset.done $0x0  }
0x39: {  	[sflag:s10] =	ssyncadd.s32 $0xFFFFD8F0  }
0x3a: {  	_ =	sfence.sel $0x180000  }
0x3b: {  	[bflag:$0x0] =	sbarrier.arrive $0xFFFF  }
0x3c: {  	p0 =	sne.s32 s0, $0x0;
	_ =	strace $0x9000004A  }
0x3d: {  	s0 =	sadd.s32 @!p0 $0x100000, s1;
	[bflag:$0x2] =	sbarrier.arrive $0xFFFF  }
0x3e: {  	[sflag:s0] =	ssyncadd.tile.s32 @!p0 $0x1;
	_ =	shalt  }
.Lfunc_end2:
_tile_overlayer_lowered:
.L_overlay_start_2:
0x3f: {  	(tag) =	ssettag $0x2  }
0x40: {  	s0 =	rddreg [dreg:$0x0];
	s2 =	stileid.u32  }
0x41: {  	s1 =	rddreg [dreg:$0x1];
	p0 =	sne.s32 s2, $0x0  }
0x42: {  	s3 =	rddreg [dreg:$0x2];
	[bflag:$0x3] =	sbarrier.arrive $0xFFFF;
	s2 =	simm.s32 @!p0 $0x1C02  }
0x43: {  	[timem:s3], [sflag:s2] =	dma.local @!p0 [hbm:s0], s1  }
0x44: {  	s0 =	simm.s32 @!p0 $0x2  }
0x45: {  	_ =	swait.ge @!p0 [sflag:s0], s1  }
0x46: {  	s1 =	ssub.s32 @!p0 $0x0, s1;
	[sflag:s0] =	ssyncset.done @!p0 $0x0  }
0x47: {  	[sflag:s0] =	ssyncadd.s32 @!p0 s1  }
0x48: {  	[bflag:$0x3] =	sbarrier.arrive $0xFFFF  }
0x49: {  	_ =	shalt  }

// kernel: kernel.18.cloned.1.call-start
scs
__scs_entry_jumppad:
0x0: {  	(pc) =	sbr.rel $0x88, $3  }
0x1: {  	(tag) =	ssettag $0x0;
	lr =	simm.s32 $0x1  }
0x2: {  	[smem:$0x3F8F] =	sst lr;
	_ =	strace $0xD0000000  }
0x3: {  	_ = 	snop  }
0x4: {  	_ = 	snop  }
0x5: {  	_ = 	snop  }
0x6: {  	_ = 	snop  }
0x7: {  	_ = 	snop  }
__scs_overlays_trampoline_lowered:
0x8: {  	[smem:$0x3F9E] =	sst s0  }
0x9: {  	[smem:$0x3F9F] =	sst s1  }
0xa: {  	[smem:$0x3FA0] =	sst s2  }
0xb: {  	[smem:$0x3FA1] =	sst s3  }
0xc: {  	[smem:$0x3FA2] =	sst s4  }
0xd: {  	[smem:$0x3FA3] =	sst s5  }
0xe: {  	[smem:$0x3FA4] =	sst s6  }
0xf: {  	[smem:$0x3FA5] =	sst s7  }
0x10: {  	[smem:$0x3FA6] =	sst s8  }
0x11: {  	[smem:$0x3FA7] =	sst s9;
	s0 =	simm.s32 @!p0 $0x0  }
0x12: {  	s1 =	sld [smem:$0x3F8D];
	s0 =	simm.s32 @p0 $0x1  }
0x13: {  	[smem:$0x3FA8] =	sst s0;
	s0 =	simm.s32 @!p1 $0x0  }
0x14: {  	s2 =	sld [smem:$0x3F8C];
	s0 =	simm.s32 @p1 $0x1  }
0x15: {  	[smem:$0x3FA9] =	sst s0;
	s0 =	simm.s32 @!p2 $0x0  }
0x16: {  	s3 =	sld [smem:$0x3FDB];
	s0 =	simm.s32 @p2 $0x1  }
0x17: {  	s4 =	simm.s32 $0x1BF5;
	[smem:$0x3FAB] =	sst s0  }
0x18: {  	s0 =	sld [smem:$0x3F8E];
	_ =	swait.ge [sflag:s4], $0x0  }
0x19: {  	s7 =	sld [smem:$0x3F8F]  }
0x1a: {  	s8 =	sadd.s32 $0xFFFFE003, lr  }
0x1b: {  	s9 =	sadd.s32 $0xFFFFFEF7, lr;
	s5 =	simm.s32 $0xFFFFFFFF;
	p2 =	slt.u32 s8, $0xFFFFF086  }
0x1c: {  	p1 =	slt.u32 s9, $0xF7A;
	s5 =	simm.s32 @!p2 $0x0  }
0x1d: {  	s5 =	simm.s32 @p1 $0x1;
	p0 =	seq.s32 s7, s2  }
0x1e: {  	s7 =	smul.u32 @!p0 $0xF7A, s2;
	p2 =	seq.s32 @!p0 s5, $0x0  }
0x1f: {  	s9 =	smul.u32 $0xF7A, s1;
	s8 =	simm.s32 @!p0 $0x1BF5;
	p2 =	por !p2, p0  }
0x20: {  	[sflag:s8] =	ssyncset.s32 @!p0 $0xFFFFF086;
	s6 =	sadd.s32 @!p0 s3, s7;
	s7 =	simm.s32 @!p0 $0x108  }
0x21: {  	s3 =	sadd.s32 s3, s9;
	s6 =	sadd.s32 @!p0 $0x88, s6;
	s7 =	simm.s32 @p2 $0x1082  }
0x22: {  	[simem:s7], [sflag:s8] =	dma.local @!p0 [hbm:s6], $0xF7A  }
0x23: {  	s9 =	sor.u32 $0xD0000000, s2;
	s6 =	simm.s32 $0x108;
	_ =	swait.ge @!p0 [sflag:s8], $0x0  }
0x24: {  	s3 =	sadd.s32 $0x88, s3;
	s6 =	simm.s32 @!p1 $0x1082;
	[sflag:s4] =	ssyncset.s32 $0xFFFFF086  }
0x25: {  	[simem:s6], [sflag:s4] =	dma.local [hbm:s3], $0xF7A  }
0x26: {  	[smem:$0x3F8F] =	sst s1;
	(tag) =	ssettag s2;
	_ =	strace s9  }
0x27: {  	s1 =	sld [smem:$0x3F9F]  }
0x28: {  	s2 =	sld [smem:$0x3FA0]  }
0x29: {  	s4 =	sld [smem:$0x3FA2]  }
0x2a: {  	p0 =	seq.s32 s5, $0x0;
	s5 =	sld [smem:$0x3FA3]  }
0x2b: {  	s6 =	sld [smem:$0x3FA4]  }
0x2c: {  	s7 =	sld [smem:$0x3FA5]  }
0x2d: {  	s3 =	simm.s32 $0x108;
	s8 =	sld [smem:$0x3FA6]  }
0x2e: {  	s3 =	simm.s32 @!p0 $0x1082;
	s9 =	sld [smem:$0x3FA7]  }
0x2f: {  	lr =	sadd.s32 s0, s3;
	s0 =	sld [smem:$0x3F9E]  }
0x30: {  	s3 =	sld [smem:$0x3FA1]  }
0x31: {  	[smem:$0x3FAA] =	sst s10  }
0x32: {  	s10 =	sld [smem:$0x3FA8];
	_ =	sdelay $0x3  }
0x33: {  	p0 =	seq.s32 s10, $0x1;
	s10 =	sld [smem:$0x3FAA];
	_ =	sdelay $0x3  }
0x34: {  	[smem:$0x3FAA] =	sst s10  }
0x35: {  	s10 =	sld [smem:$0x3FA9];
	_ =	sdelay $0x3  }
0x36: {  	p1 =	seq.s32 s10, $0x1;
	s10 =	sld [smem:$0x3FAA];
	_ =	sdelay $0x3  }
0x37: {  	[smem:$0x3FAA] =	sst s10  }
0x38: {  	s10 =	sld [smem:$0x3FAB]  }
0x39: {  	_ = 	snop;
	(pc) =	sbr.ind lr, $3  }
0x3a: {  	_ = 	snop  }
0x3b: {  	_ = 	snop  }
0x3c: {  	p2 =	seq.s32 s10, $0x1;
	s10 =	sld [smem:$0x3FAA]  }
0x3d: {  	_ =	shalt  }
0x3e: {  	_ =	shalt  }
0x3f: {  	_ =	shalt  }
0x40: {  	_ =	shalt  }
0x41: {  	_ =	shalt  }
0x42: {  	_ =	shalt  }
0x43: {  	_ =	shalt  }
0x44: {  	_ =	shalt  }
0x45: {  	_ =	shalt  }
0x46: {  	_ =	shalt  }
0x47: {  	_ =	shalt  }
0x48: {  	_ =	shalt  }
0x49: {  	_ =	shalt  }
0x4a: {  	_ =	shalt  }
0x4b: {  	_ =	shalt  }
0x4c: {  	_ =	shalt  }
0x4d: {  	_ =	shalt  }
0x4e: {  	_ =	shalt  }
0x4f: {  	_ =	shalt  }
0x50: {  	_ =	shalt  }
0x51: {  	_ =	shalt  }
0x52: {  	_ =	shalt  }
0x53: {  	_ =	shalt  }
0x54: {  	_ =	shalt  }
0x55: {  	_ =	shalt  }
0x56: {  	_ =	shalt  }
0x57: {  	_ =	shalt  }
0x58: {  	_ =	shalt  }
0x59: {  	_ =	shalt  }
0x5a: {  	_ =	shalt  }
0x5b: {  	_ =	shalt  }
0x5c: {  	_ =	shalt  }
0x5d: {  	_ =	shalt  }
0x5e: {  	_ =	shalt  }
0x5f: {  	_ =	shalt  }
0x60: {  	_ =	shalt  }
0x61: {  	_ =	shalt  }
0x62: {  	_ =	shalt  }
0x63: {  	_ =	shalt  }
0x64: {  	_ =	shalt  }
0x65: {  	_ =	shalt  }
0x66: {  	_ =	shalt  }
0x67: {  	_ =	shalt  }
0x68: {  	_ =	shalt  }
0x69: {  	_ =	shalt  }
0x6a: {  	_ =	shalt  }
0x6b: {  	_ =	shalt  }
0x6c: {  	_ =	shalt  }
0x6d: {  	_ =	shalt  }
0x6e: {  	_ =	shalt  }
0x6f: {  	_ =	shalt  }
0x70: {  	_ =	shalt  }
0x71: {  	_ =	shalt  }
0x72: {  	_ =	shalt  }
0x73: {  	_ =	shalt  }
0x74: {  	_ =	shalt  }
0x75: {  	_ =	shalt  }
0x76: {  	_ =	shalt  }
0x77: {  	_ =	shalt  }
0x78: {  	_ =	shalt  }
0x79: {  	_ =	shalt  }
0x7a: {  	_ =	shalt  }
0x7b: {  	_ =	shalt  }
0x7c: {  	_ =	shalt  }
0x7d: {  	_ =	shalt  }
0x7e: {  	_ =	shalt  }
0x7f: {  	_ =	shalt  }
0x80: {  	_ =	shalt  }
0x81: {  	_ =	shalt  }
0x82: {  	_ =	shalt  }
0x83: {  	_ =	shalt  }
0x84: {  	_ =	shalt  }
0x85: {  	_ =	shalt  }
0x86: {  	_ =	shalt  }
0x87: {  	_ =	shalt  }
.Lfunc_end0:
.L_simem_size_0:
called_computation.2_lowered:
.L_overlay_start_0:
0x88: {  	s2 =	sld [smem:$0x3FD9]  }
0x89: {  	s3 =	sld [smem:$0x3FFE];
	_ =	sdelay $0x1  }
0x8a: {  	s1 =	srdreg.scid  }
0x8b: {  	s0 =	sand.u32 $0x1, s1  }
0x8c: {  	s16 =	sshll.u32 s0, $0xA;
	s2 =	sadd.s32 s3, s2  }
0x8d: {  	s2 =	sadd.s32 s2, s16  }
0x8e: {  	[smem:$0x3FB6] =	sst s2  }
0x8f: {  	_ = 	snop  }
0x90: {  	(tm) =	ssettm $0x1  }
0x91: {  	s17 =	sld [smem:$0x3FFB];
	_ =	sdelay $0x3  }
0x92: {  	_ =	strace s17  }
0x93: {  	s2 =	sld [smem:$0x3FFC];
	_ =	sdelay $0x3  }
0x94: {  	_ =	strace s2  }
0x95: {  	s2 =	sld [smem:$0x3FFD];
	_ =	sdelay $0x3  }
0x96: {  	_ =	strace s2  }
0x97: {  	_ =	strace $0x8FFFFFFF  }
0x98: {  	s18 =	sld [smem:$0x3FDB];
	_ =	sdelay $0x1  }
0x99: {  	s19 =	simm.s32 $_scs_section_size  }
0x9a: {  	s4 =	simm.s32 $_size__tile_overlayer_lowered;
	s5 =	simm.s32 $_tile_overlayer_lowered  }
0x9b: {  	s22 =	simm.s32 $0x1BFF;
	s21 =	sshll.u32 s5, $0x1;
	s2 =	sadd.s32 s19, s18  }
0x9c: {  	s6 =	simm.s32 $0x0;
	s20 =	sshll.u32 s4, $0x1;
	s4 =	sadd.s32 s21, s2  }
0x9d: {  	[timem:s6], [sflag:s22] =	dma.local [hbm:s4], s20  }
0x9e: {  	_ =	swait.ge [sflag:s22], s20  }
0x9f: {  	s3 =	ssub.s32 $0x0, s20;
	[sflag:s22] =	ssyncset.done $0x0  }
0xa0: {  	[sflag:s22] =	ssyncadd.s32 s3;
	_ =	sdelay $0x1  }
0xa1: {  	s23 =	simm.s32 $0x1B8B  }
0xa2: {  	_ =	swait.ge [sflag:s23], $0x1  }
0xa3: {  	[sflag:s23] =	ssyncset.done $0x0  }
0xa4: {  	s25 =	simm.s32 $0x1B8E;
	s24 =	sld [smem:$0x3FFE];
	[sflag:s23] =	ssyncadd.s32 $0xFFFFFFFF  }
0xa5: {  	s26 =	simm.s32 $execute0_lowered;
	[smem:$0x3FD2] =	sst s25  }
0xa6: {  	s4 =	sshll.u32 s26, $0x1;
	_ =	strace $0x8000004C;
	[dreg:$0x1] =	wrdreg $0xFFFFFFFF  }
0xa7: {  	s28 =	simm.s32 $_size_execute0_lowered;
	s2 =	sadd.s32 s2, s4;
	[dreg:$0x0] =	wrdreg $0x0  }
0xa8: {  	s4 =	sshll.u32 s28, $0x1;
	[dreg:$0x2] =	wrdreg s2  }
0xa9: {  	[dreg:$0x3] =	wrdreg s4  }
0xaa: {  	[dreg:$0x4] =	wrdreg $0xC0  }
0xab: {  	_ =	task [dreg:s6], $0x5FFFF  }
0xac: {  	[dreg:$0x1] =	wrdreg $0xFFFFFFFF  }
0xad: {  	[dreg:$0x0] =	wrdreg $0x60  }
0xae: {  	[dreg:$0x2] =	wrdreg s24  }
0xaf: {  	[dreg:$0x3] =	wrdreg $0x90000  }
0xb0: {  	[dreg:$0x4] =	wrdreg $0x9  }
0xb1: {  	_ =	task.clear_ibuf [dreg:s6], $0x5FFFF;
	_ =	strace $0x9000004C  }
0xb2: {  	s29 =	simm.s32 $0x9;
	_ =	strace $0x8000004E  }
0xb3: {  	_ =	swait.ge [sflag:s29], $0x1  }
0xb4: {  	[sflag:s29] =	ssyncadd.s32 $0xFFFFFFFF  }
0xb5: {  	_ =	strace $0x9000004E  }
0xb6: {  	_ =	sfence  }
0xb7: {  	s30 =	sld [smem:$0x0];
	_ =	sdelay $0x2  }
0xb8: {  	s31 =	sshll.u32 s1, $0xD;
	s1 =	sshrl.u32 s1, $0x2  }
0xb9: {  	s3 =	sand.u32 $0x4000, s31;
	s1 =	sadd.s32 s1, s30  }
0xba: {  	s0 =	sor.u32 s3, s0;
	s1 =	sshll.u32 s1, $0x11  }
0xbb: {  	s0 =	sor.u32 s1, s0  }
0xbc: {  	s0 =	sadd.s32 $0x8F2B, s0  }
0xbd: {  	[sflag:s0] =	ssyncadd.remote.s32 $0x1  }
0xbe: {  	_ =	sfence.sel $0xFFFF  }
0xbf: {  	[dreg:$0x0] =	wrdreg $0xFFFFFFFF;
	(pc) =	sbr.abs _section_cstart, $3  }
0xc0: {  	[dreg:$0x1] =	wrdreg $0xFFFFFFFF  }
0xc1: {  	_ =	task.clear_ibuf [dreg:s6], $0x2FFFF;
	_ =	strace $0x9FFFFFFF  }
0xc2: {  	(tm) =	ssettm $0x7FFFFFFF  }
0xc3: {  	_ =	shalt  }
tec
execute0_lowered:
.L_overlay_start_1:
0x0: {  	(tag) =	ssettag $0x1  }
0x1: {  	s6 =	rddreg [dreg:$0x0]  }
0x2: {  	s0 =	srdreg.scid;
	s2 =	rddreg [dreg:$0x1]  }
0x3: {  	s3 =	simm.s32 $0x0;
	s14 =	simm.s32 $0x7D;
	s15 =	simm.s32 $0x5000  }
0x4: {  	s16 =	simm.s32 $0x1;
	s5 =	sand.u32 $0x1, s0;
	s0 =	stileid.u32  }
0x5: {  	s17 =	simm.s32 $0x0;
	[smem:$0x7FF] =	sst s3;
	s8 =	smul.u32 $0x13C000, s5  }
0x6: {  	s4 =	sadd.s32 $0x19600, s6;
	s1 =	sshll.u32 s5, $0x4;
	s9 =	smul.u32 $0x13C00, s0  }
0x7: {  	s30 =	ssub.s32 $0x2, s5;
	s11 =	smul.u32 $0x4E200, s0;
	s5 =	sadd.s32 $0x40800, s6  }
0x8: {  	s12 =	sshll.u32 s0, $0x6;
	s1 =	sor.u32 s0, s1;
	s10 =	sshrl.u32 s30, $0x1  }
0x9: {  	s12 =	sor.u32 $0x1C02, s12;
	s7 =	smul.u32 $0x500, s1;
	s1 =	rddreg [dreg:$0x2]  }
0xa: {  	_ =	strace $0x8000004D;
	s8 =	sadd.s32 s9, s8;
	s9 =	ssub.s32 s30, s10  }
0xb: {  	s31 =	sshrl.u32 s11, $0x2;
	s10 =	simm.s32 $0x2;
	s11 =	simm.s32 $0x2800  }
0xc: {  	s8 =	sshrl.u32 s8, $0x3;
	s13 =	sadd.s32 s31, s2;
	s9 =	smax.u32 s9, $0x1  }
0xd: {  	s7 =	sadd.s32 s7, s6;
	s8 =	sadd.s32 s8, s6;
	s13 =	sshrl.u32 s13, $0x3  }
0xe: {  	s6 =	sadd.s32 $0x5600, s7;
	s7 =	sadd.s32 $0xF600, s7;
	s8 =	sadd.s32 $0x43000, s8  }
.LBB2_1:
0xf: {  	[tilespmem:s3], [sflag:$0x2] =	stream.linear.gather [hbm4b:s6+s3], $0x2800, $0x38;
	[tilespmem:$0x1C880] =	vst v63  }
0x10: {  	_ =	swait.ge [sflag:s10], $0x2800  }
0x11: {  	[sflag:s10] =	ssyncset.done $0x0  }
0x12: {  	[sflag:s10] =	ssyncadd.s32 $0xFFFFD800  }
0x13: {  	[tilespmem:s11], [sflag:$0x2] =	stream.linear.gather [hbm4b:s7+s3], $0x2800, $0x38;
	[tilespmem:$0x1C880] =	vst v63  }
0x14: {  	_ =	swait.ge [sflag:s10], $0x2800  }
0x15: {  	[sflag:s10] =	ssyncset.done $0x0  }
0x16: {  	[sflag:s10] =	ssyncadd.s32 $0xFFFFD800  }
0x17: {  	[spmem:s13], [sflag:s12] =	dma.local [hbm:s5], $0x2710  }
0x18: {  	_ =	swait.ge [sflag:s10], $0x2710  }
0x19: {  	[sflag:s10] =	ssyncset.done $0x0  }
0x1a: {  	[sflag:s10] =	ssyncadd.s32 $0xFFFFD8F0  }
0x1b: {  	s18 =	simm.s32 $0x0;
	[bflag:$0x0] =	sbarrier.arrive $0xFFFF  }
0x1c: {  	[tilespmem:s15], [sflag:$0x1] =	stream.indirect.gather [hbm4b:s4+s14], $0x80, s18, s14, $0xb8;
	[tilespmem:$0x1C880] =	vst v63  }
0x1d: {  	_ =	swait.ge [sflag:s16], $0x3E80  }
0x1e: {  	[sflag:s16] =	ssyncset.done $0x0  }
0x1f: {  	s31 =	simm.s32 $0x2800;
	[sflag:s16] =	ssyncadd.s32 $0xFFFFC180  }
0x20: {  	[spmem:s2] =	stream.indirect.scatter.add.f32 [tilespmem:s15], [sflag:$0x2], $0x80, s31, s14, $0xb8;
	[tilespmem:$0x1C880] =	vst v63  }
0x21: {  	_ =	swait.ge [sflag:s10], $0x3E80  }
0x22: {  	s19 =	simm.s32 $0x400;
	s18 =	simm.s32 $0x200;
	[sflag:s10] =	ssyncset.done $0x0  }
.LBB2_2:
0x23: {  	s20 =	sshra.s32 s18, $0x2  }
0x24: {  	[sflag:s10] =	ssyncadd.s32 $0xFFFFC180;
	s18 =	smov.u32 s19;
	s21 =	sadd.s32 $0x200, s19  }
0x25: {  	[tilespmem:s15], [sflag:$0x1] =	stream.indirect.gather [hbm4b:s4+s14], $0x80, s20, s14, $0xb8;
	[tilespmem:$0x1C880] =	vst v63  }
0x26: {  	p0 =	sne.s32 s19, $0x9E00;
	_ =	swait.ge [sflag:s16], $0x3E80  }
.Ltmp0:
0x27: {  	[sflag:s16] =	ssyncset.done $0x0;
	(pc) =	sbr.rel @p0 .LBB2_2-.Ltmp0, $4  }
0x28: {  	s19 =	sadd.s32 $0x2800, s20;
	[sflag:s16] =	ssyncadd.s32 $0xFFFFC180  }
0x29: {  	[spmem:s2] =	stream.indirect.scatter.add.f32 [tilespmem:s15], [sflag:$0x2], $0x80, s19, s14, $0xb8;
	[tilespmem:$0x1C880] =	vst v63  }
0x2a: {  	_ =	swait.ge [sflag:s10], $0x3E80  }
0x2b: {  	s19 =	smov.u32 s21;
	[sflag:s10] =	ssyncset.done $0x0  }
0x2c: {  	s18 =	sshra.s32 s18, $0x2;
	[sflag:s10] =	ssyncadd.s32 $0xFFFFC180  }
0x2d: {  	[tilespmem:s15], [sflag:$0x1] =	stream.indirect.gather [hbm4b:s4+s14], $0x80, s18, s14, $0xb8;
	[tilespmem:$0x1C880] =	vst v63  }
0x2e: {  	_ =	swait.ge [sflag:s16], $0x3E80  }
0x2f: {  	[sflag:s16] =	ssyncset.done $0x0  }
0x30: {  	s18 =	sadd.s32 $0x2800, s18;
	[sflag:s16] =	ssyncadd.s32 $0xFFFFC180  }
0x31: {  	[spmem:s2] =	stream.indirect.scatter.add.f32 [tilespmem:s15], [sflag:$0x2], $0x80, s18, s14, $0xb8;
	[tilespmem:$0x1C880] =	vst v63  }
0x32: {  	_ =	swait.ge [sflag:s10], $0x3E80  }
0x33: {  	s17 =	sadd.s32 $0x1, s17;
	[sflag:s10] =	ssyncset.done $0x0  }
0x34: {  	p0 =	sne.s32 s17, s9;
	[sflag:s10] =	ssyncadd.s32 $0xFFFFC180  }
.Ltmp1:
0x35: {  	[bflag:$0x0] =	sbarrier.arrive $0xFFFF;
	(pc) =	sbr.rel @p0 .LBB2_1-.Ltmp1, $4  }
0x36: {  	[hbm:s8], [sflag:s12] =	dma.local [spmem:s13], $0x2710  }
0x37: {  	_ =	swait.ge [sflag:s10], $0x2710  }
0x38: {  	[sflag:s10] =	ssyncset.done $0x0  }
0x39: {  	[sflag:s10] =	ssyncadd.s32 $0xFFFFD8F0  }
0x3a: {  	_ =	sfence.sel $0x180000  }
0x3b: {  	[bflag:$0x0] =	sbarrier.arrive $0xFFFF  }
0x3c: {  	p0 =	sne.s32 s0, $0x0;
	_ =	strace $0x9000004D  }
0x3d: {  	s0 =	sadd.s32 @!p0 $0x100000, s1;
	[bflag:$0x2] =	sbarrier.arrive $0xFFFF  }
0x3e: {  	[sflag:s0] =	ssyncadd.tile.s32 @!p0 $0x1;
	_ =	shalt  }
.Lfunc_end2:
_tile_overlayer_lowered:
.L_overlay_start_2:
0x3f: {  	(tag) =	ssettag $0x2  }
0x40: {  	s0 =	rddreg [dreg:$0x0];
	s2 =	stileid.u32  }
0x41: {  	s1 =	rddreg [dreg:$0x1];
	p0 =	sne.s32 s2, $0x0  }
0x42: {  	s3 =	rddreg [dreg:$0x2];
	[bflag:$0x3] =	sbarrier.arrive $0xFFFF;
	s2 =	simm.s32 @!p0 $0x1C02  }
0x43: {  	[timem:s3], [sflag:s2] =	dma.local @!p0 [hbm:s0], s1  }
0x44: {  	s0 =	simm.s32 @!p0 $0x2  }
0x45: {  	_ =	swait.ge @!p0 [sflag:s0], s1  }
0x46: {  	s1 =	ssub.s32 @!p0 $0x0, s1;
	[sflag:s0] =	ssyncset.done @!p0 $0x0  }
0x47: {  	[sflag:s0] =	ssyncadd.s32 @!p0 s1  }
0x48: {  	[bflag:$0x3] =	sbarrier.arrive $0xFFFF  }
0x49: {  	_ =	shalt  }

// kernel: kernel.21.cloned.1.call-start
scs
__scs_entry_jumppad:
0x0: {  	(pc) =	sbr.rel $0x88, $3  }
0x1: {  	(tag) =	ssettag $0x0;
	lr =	simm.s32 $0x1  }
0x2: {  	[smem:$0x3F8F] =	sst lr;
	_ =	strace $0xD0000000  }
0x3: {  	_ = 	snop  }
0x4: {  	_ = 	snop  }
0x5: {  	_ = 	snop  }
0x6: {  	_ = 	snop  }
0x7: {  	_ = 	snop  }
__scs_overlays_trampoline_lowered:
0x8: {  	[smem:$0x3F9E] =	sst s0  }
0x9: {  	[smem:$0x3F9F] =	sst s1  }
0xa: {  	[smem:$0x3FA0] =	sst s2  }
0xb: {  	[smem:$0x3FA1] =	sst s3  }
0xc: {  	[smem:$0x3FA2] =	sst s4  }
0xd: {  	[smem:$0x3FA3] =	sst s5  }
0xe: {  	[smem:$0x3FA4] =	sst s6  }
0xf: {  	[smem:$0x3FA5] =	sst s7  }
0x10: {  	[smem:$0x3FA6] =	sst s8  }
0x11: {  	[smem:$0x3FA7] =	sst s9;
	s0 =	simm.s32 @!p0 $0x0  }
0x12: {  	s1 =	sld [smem:$0x3F8D];
	s0 =	simm.s32 @p0 $0x1  }
0x13: {  	[smem:$0x3FA8] =	sst s0;
	s0 =	simm.s32 @!p1 $0x0  }
0x14: {  	s2 =	sld [smem:$0x3F8C];
	s0 =	simm.s32 @p1 $0x1  }
0x15: {  	[smem:$0x3FA9] =	sst s0;
	s0 =	simm.s32 @!p2 $0x0  }
0x16: {  	s3 =	sld [smem:$0x3FDB];
	s0 =	simm.s32 @p2 $0x1  }
0x17: {  	s4 =	simm.s32 $0x1BF5;
	[smem:$0x3FAB] =	sst s0  }
0x18: {  	s0 =	sld [smem:$0x3F8E];
	_ =	swait.ge [sflag:s4], $0x0  }
0x19: {  	s7 =	sld [smem:$0x3F8F]  }
0x1a: {  	s8 =	sadd.s32 $0xFFFFE003, lr  }
0x1b: {  	s9 =	sadd.s32 $0xFFFFFEF7, lr;
	s5 =	simm.s32 $0xFFFFFFFF;
	p2 =	slt.u32 s8, $0xFFFFF086  }
0x1c: {  	p1 =	slt.u32 s9, $0xF7A;
	s5 =	simm.s32 @!p2 $0x0  }
0x1d: {  	s5 =	simm.s32 @p1 $0x1;
	p0 =	seq.s32 s7, s2  }
0x1e: {  	s7 =	smul.u32 @!p0 $0xF7A, s2;
	p2 =	seq.s32 @!p0 s5, $0x0  }
0x1f: {  	s9 =	smul.u32 $0xF7A, s1;
	s8 =	simm.s32 @!p0 $0x1BF5;
	p2 =	por !p2, p0  }
0x20: {  	[sflag:s8] =	ssyncset.s32 @!p0 $0xFFFFF086;
	s6 =	sadd.s32 @!p0 s3, s7;
	s7 =	simm.s32 @!p0 $0x108  }
0x21: {  	s3 =	sadd.s32 s3, s9;
	s6 =	sadd.s32 @!p0 $0x88, s6;
	s7 =	simm.s32 @p2 $0x1082  }
0x22: {  	[simem:s7], [sflag:s8] =	dma.local @!p0 [hbm:s6], $0xF7A  }
0x23: {  	s9 =	sor.u32 $0xD0000000, s2;
	s6 =	simm.s32 $0x108;
	_ =	swait.ge @!p0 [sflag:s8], $0x0  }
0x24: {  	s3 =	sadd.s32 $0x88, s3;
	s6 =	simm.s32 @!p1 $0x1082;
	[sflag:s4] =	ssyncset.s32 $0xFFFFF086  }
0x25: {  	[simem:s6], [sflag:s4] =	dma.local [hbm:s3], $0xF7A  }
0x26: {  	[smem:$0x3F8F] =	sst s1;
	(tag) =	ssettag s2;
	_ =	strace s9  }
0x27: {  	s1 =	sld [smem:$0x3F9F]  }
0x28: {  	s2 =	sld [smem:$0x3FA0]  }
0x29: {  	s4 =	sld [smem:$0x3FA2]  }
0x2a: {  	p0 =	seq.s32 s5, $0x0;
	s5 =	sld [smem:$0x3FA3]  }
0x2b: {  	s6 =	sld [smem:$0x3FA4]  }
0x2c: {  	s7 =	sld [smem:$0x3FA5]  }
0x2d: {  	s3 =	simm.s32 $0x108;
	s8 =	sld [smem:$0x3FA6]  }
0x2e: {  	s3 =	simm.s32 @!p0 $0x1082;
	s9 =	sld [smem:$0x3FA7]  }
0x2f: {  	lr =	sadd.s32 s0, s3;
	s0 =	sld [smem:$0x3F9E]  }
0x30: {  	s3 =	sld [smem:$0x3FA1]  }
0x31: {  	[smem:$0x3FAA] =	sst s10  }
0x32: {  	s10 =	sld [smem:$0x3FA8];
	_ =	sdelay $0x3  }
0x33: {  	p0 =	seq.s32 s10, $0x1;
	s10 =	sld [smem:$0x3FAA];
	_ =	sdelay $0x3  }
0x34: {  	[smem:$0x3FAA] =	sst s10  }
0x35: {  	s10 =	sld [smem:$0x3FA9];
	_ =	sdelay $0x3  }
0x36: {  	p1 =	seq.s32 s10, $0x1;
	s10 =	sld [smem:$0x3FAA];
	_ =	sdelay $0x3  }
0x37: {  	[smem:$0x3FAA] =	sst s10  }
0x38: {  	s10 =	sld [smem:$0x3FAB]  }
0x39: {  	_ = 	snop;
	(pc) =	sbr.ind lr, $3  }
0x3a: {  	_ = 	snop  }
0x3b: {  	_ = 	snop  }
0x3c: {  	p2 =	seq.s32 s10, $0x1;
	s10 =	sld [smem:$0x3FAA]  }
0x3d: {  	_ =	shalt  }
0x3e: {  	_ =	shalt  }
0x3f: {  	_ =	shalt  }
0x40: {  	_ =	shalt  }
0x41: {  	_ =	shalt  }
0x42: {  	_ =	shalt  }
0x43: {  	_ =	shalt  }
0x44: {  	_ =	shalt  }
0x45: {  	_ =	shalt  }
0x46: {  	_ =	shalt  }
0x47: {  	_ =	shalt  }
0x48: {  	_ =	shalt  }
0x49: {  	_ =	shalt  }
0x4a: {  	_ =	shalt  }
0x4b: {  	_ =	shalt  }
0x4c: {  	_ =	shalt  }
0x4d: {  	_ =	shalt  }
0x4e: {  	_ =	shalt  }
0x4f: {  	_ =	shalt  }
0x50: {  	_ =	shalt  }
0x51: {  	_ =	shalt  }
0x52: {  	_ =	shalt  }
0x53: {  	_ =	shalt  }
0x54: {  	_ =	shalt  }
0x55: {  	_ =	shalt  }
0x56: {  	_ =	shalt  }
0x57: {  	_ =	shalt  }
0x58: {  	_ =	shalt  }
0x59: {  	_ =	shalt  }
0x5a: {  	_ =	shalt  }
0x5b: {  	_ =	shalt  }
0x5c: {  	_ =	shalt  }
0x5d: {  	_ =	shalt  }
0x5e: {  	_ =	shalt  }
0x5f: {  	_ =	shalt  }
0x60: {  	_ =	shalt  }
0x61: {  	_ =	shalt  }
0x62: {  	_ =	shalt  }
0x63: {  	_ =	shalt  }
0x64: {  	_ =	shalt  }
0x65: {  	_ =	shalt  }
0x66: {  	_ =	shalt  }
0x67: {  	_ =	shalt  }
0x68: {  	_ =	shalt  }
0x69: {  	_ =	shalt  }
0x6a: {  	_ =	shalt  }
0x6b: {  	_ =	shalt  }
0x6c: {  	_ =	shalt  }
0x6d: {  	_ =	shalt  }
0x6e: {  	_ =	shalt  }
0x6f: {  	_ =	shalt  }
0x70: {  	_ =	shalt  }
0x71: {  	_ =	shalt  }
0x72: {  	_ =	shalt  }
0x73: {  	_ =	shalt  }
0x74: {  	_ =	shalt  }
0x75: {  	_ =	shalt  }
0x76: {  	_ =	shalt  }
0x77: {  	_ =	shalt  }
0x78: {  	_ =	shalt  }
0x79: {  	_ =	shalt  }
0x7a: {  	_ =	shalt  }
0x7b: {  	_ =	shalt  }
0x7c: {  	_ =	shalt  }
0x7d: {  	_ =	shalt  }
0x7e: {  	_ =	shalt  }
0x7f: {  	_ =	shalt  }
0x80: {  	_ =	shalt  }
0x81: {  	_ =	shalt  }
0x82: {  	_ =	shalt  }
0x83: {  	_ =	shalt  }
0x84: {  	_ =	shalt  }
0x85: {  	_ =	shalt  }
0x86: {  	_ =	shalt  }
0x87: {  	_ =	shalt  }
.Lfunc_end0:
.L_simem_size_0:
called_computation.3_lowered:
.L_overlay_start_0:
0x88: {  	s2 =	sld [smem:$0x3FD9]  }
0x89: {  	s3 =	sld [smem:$0x3FFE];
	_ =	sdelay $0x1  }
0x8a: {  	s1 =	srdreg.scid  }
0x8b: {  	s0 =	sand.u32 $0x1, s1  }
0x8c: {  	s16 =	sshll.u32 s0, $0xA;
	s2 =	sadd.s32 s3, s2  }
0x8d: {  	s2 =	sadd.s32 s2, s16  }
0x8e: {  	[smem:$0x3FB6] =	sst s2  }
0x8f: {  	_ = 	snop  }
0x90: {  	(tm) =	ssettm $0x1  }
0x91: {  	s17 =	sld [smem:$0x3FFB];
	_ =	sdelay $0x3  }
0x92: {  	_ =	strace s17  }
0x93: {  	s2 =	sld [smem:$0x3FFC];
	_ =	sdelay $0x3  }
0x94: {  	_ =	strace s2  }
0x95: {  	s2 =	sld [smem:$0x3FFD];
	_ =	sdelay $0x3  }
0x96: {  	_ =	strace s2  }
0x97: {  	_ =	strace $0x8FFFFFFF  }
0x98: {  	s18 =	sld [smem:$0x3FDB];
	_ =	sdelay $0x1  }
0x99: {  	s19 =	simm.s32 $_scs_section_size  }
0x9a: {  	s4 =	simm.s32 $_size__tile_overlayer_lowered;
	s5 =	simm.s32 $_tile_overlayer_lowered  }
0x9b: {  	s22 =	simm.s32 $0x1BFF;
	s21 =	sshll.u32 s5, $0x1;
	s2 =	sadd.s32 s19, s18  }
0x9c: {  	s6 =	simm.s32 $0x0;
	s20 =	sshll.u32 s4, $0x1;
	s4 =	sadd.s32 s21, s2  }
0x9d: {  	[timem:s6], [sflag:s22] =	dma.local [hbm:s4], s20  }
0x9e: {  	_ =	swait.ge [sflag:s22], s20  }
0x9f: {  	s3 =	ssub.s32 $0x0, s20;
	[sflag:s22] =	ssyncset.done $0x0  }
0xa0: {  	[sflag:s22] =	ssyncadd.s32 s3;
	_ =	sdelay $0x1  }
0xa1: {  	s23 =	simm.s32 $0x1B8B  }
0xa2: {  	_ =	swait.ge [sflag:s23], $0x1  }
0xa3: {  	[sflag:s23] =	ssyncset.done $0x0  }
0xa4: {  	s25 =	simm.s32 $0x1B8E;
	s24 =	sld [smem:$0x3FFE];
	[sflag:s23] =	ssyncadd.s32 $0xFFFFFFFF  }
0xa5: {  	s26 =	simm.s32 $execute0_lowered;
	[smem:$0x3FD2] =	sst s25  }
0xa6: {  	s4 =	sshll.u32 s26, $0x1;
	_ =	strace $0x8000004F;
	[dreg:$0x1] =	wrdreg $0xFFFFFFFF  }
0xa7: {  	s28 =	simm.s32 $_size_execute0_lowered;
	s2 =	sadd.s32 s2, s4;
	[dreg:$0x0] =	wrdreg $0x0  }
0xa8: {  	s4 =	sshll.u32 s28, $0x1;
	[dreg:$0x2] =	wrdreg s2  }
0xa9: {  	[dreg:$0x3] =	wrdreg s4  }
0xaa: {  	[dreg:$0x4] =	wrdreg $0xC0  }
0xab: {  	_ =	task [dreg:s6], $0x5FFFF  }
0xac: {  	[dreg:$0x1] =	wrdreg $0xFFFFFFFF  }
0xad: {  	[dreg:$0x0] =	wrdreg $0x60  }
0xae: {  	[dreg:$0x2] =	wrdreg s24  }
0xaf: {  	[dreg:$0x3] =	wrdreg $0x90000  }
0xb0: {  	[dreg:$0x4] =	wrdreg $0x9  }
0xb1: {  	_ =	task.clear_ibuf [dreg:s6], $0x5FFFF;
	_ =	strace $0x9000004F  }
0xb2: {  	s29 =	simm.s32 $0x9;
	_ =	strace $0x80000051  }
0xb3: {  	_ =	swait.ge [sflag:s29], $0x1  }
0xb4: {  	[sflag:s29] =	ssyncadd.s32 $0xFFFFFFFF  }
0xb5: {  	_ =	strace $0x90000051  }
0xb6: {  	_ =	sfence  }
0xb7: {  	s30 =	sld [smem:$0x0];
	_ =	sdelay $0x2  }
0xb8: {  	s31 =	sshll.u32 s1, $0xD;
	s1 =	sshrl.u32 s1, $0x2  }
0xb9: {  	s3 =	sand.u32 $0x4000, s31;
	s1 =	sadd.s32 s1, s30  }
0xba: {  	s0 =	sor.u32 s3, s0;
	s1 =	sshll.u32 s1, $0x11  }
0xbb: {  	s0 =	sor.u32 s1, s0  }
0xbc: {  	s0 =	sadd.s32 $0x8F2B, s0  }
0xbd: {  	[sflag:s0] =	ssyncadd.remote.s32 $0x1  }
0xbe: {  	_ =	sfence.sel $0xFFFF  }
0xbf: {  	[dreg:$0x0] =	wrdreg $0xFFFFFFFF;
	(pc) =	sbr.abs _section_cstart, $3  }
0xc0: {  	[dreg:$0x1] =	wrdreg $0xFFFFFFFF  }
0xc1: {  	_ =	task.clear_ibuf [dreg:s6], $0x2FFFF;
	_ =	strace $0x9FFFFFFF  }
0xc2: {  	(tm) =	ssettm $0x7FFFFFFF  }
0xc3: {  	_ =	shalt  }
tec
execute0_lowered:
.L_overlay_start_1:
0x0: {  	(tag) =	ssettag $0x1  }
0x1: {  	s6 =	rddreg [dreg:$0x0]  }
0x2: {  	s0 =	srdreg.scid;
	s2 =	rddreg [dreg:$0x1]  }
0x3: {  	s3 =	simm.s32 $0x0;
	s14 =	simm.s32 $0x7D;
	s15 =	simm.s32 $0x5000  }
0x4: {  	s16 =	simm.s32 $0x1;
	s5 =	sand.u32 $0x1, s0;
	s0 =	stileid.u32  }
0x5: {  	s17 =	simm.s32 $0x0;
	[smem:$0x7FF] =	sst s3;
	s8 =	smul.u32 $0x13C000, s5  }
0x6: {  	s4 =	sadd.s32 $0x19600, s6;
	s1 =	sshll.u32 s5, $0x4;
	s9 =	smul.u32 $0x13C00, s0  }
0x7: {  	s30 =	ssub.s32 $0x2, s5;
	s11 =	smul.u32 $0x4E200, s0;
	s5 =	sadd.s32 $0x40800, s6  }
0x8: {  	s12 =	sshll.u32 s0, $0x6;
	s1 =	sor.u32 s0, s1;
	s10 =	sshrl.u32 s30, $0x1  }
0x9: {  	s12 =	sor.u32 $0x1C02, s12;
	s7 =	smul.u32 $0x500, s1;
	s1 =	rddreg [dreg:$0x2]  }
0xa: {  	_ =	strace $0x80000050;
	s8 =	sadd.s32 s9, s8;
	s9 =	ssub.s32 s30, s10  }
0xb: {  	s31 =	sshrl.u32 s11, $0x2;
	s10 =	simm.s32 $0x2;
	s11 =	simm.s32 $0x2800  }
0xc: {  	s8 =	sshrl.u32 s8, $0x3;
	s13 =	sadd.s32 s31, s2;
	s9 =	smax.u32 s9, $0x1  }
0xd: {  	s7 =	sadd.s32 s7, s6;
	s8 =	sadd.s32 s8, s6;
	s13 =	sshrl.u32 s13, $0x3  }
0xe: {  	s6 =	sadd.s32 $0x5600, s7;
	s7 =	sadd.s32 $0xF600, s7;
	s8 =	sadd.s32 $0x43000, s8  }
.LBB2_1:
0xf: {  	[tilespmem:s3], [sflag:$0x2] =	stream.linear.gather [hbm4b:s6+s3], $0x2800, $0x38;
	[tilespmem:$0x1C880] =	vst v63  }
0x10: {  	_ =	swait.ge [sflag:s10], $0x2800  }
0x11: {  	[sflag:s10] =	ssyncset.done $0x0  }
0x12: {  	[sflag:s10] =	ssyncadd.s32 $0xFFFFD800  }
0x13: {  	[tilespmem:s11], [sflag:$0x2] =	stream.linear.gather [hbm4b:s7+s3], $0x2800, $0x38;
	[tilespmem:$0x1C880] =	vst v63  }
0x14: {  	_ =	swait.ge [sflag:s10], $0x2800  }
0x15: {  	[sflag:s10] =	ssyncset.done $0x0  }
0x16: {  	[sflag:s10] =	ssyncadd.s32 $0xFFFFD800  }
0x17: {  	[spmem:s13], [sflag:s12] =	dma.local [hbm:s5], $0x2710  }
0x18: {  	_ =	swait.ge [sflag:s10], $0x2710  }
0x19: {  	[sflag:s10] =	ssyncset.done $0x0  }
0x1a: {  	[sflag:s10] =	ssyncadd.s32 $0xFFFFD8F0  }
0x1b: {  	s18 =	simm.s32 $0x0;
	[bflag:$0x0] =	sbarrier.arrive $0xFFFF  }
0x1c: {  	[tilespmem:s15], [sflag:$0x1] =	stream.indirect.gather [hbm4b:s4+s14], $0x80, s18, s14, $0xb8;
	[tilespmem:$0x1C880] =	vst v63  }
0x1d: {  	_ =	swait.ge [sflag:s16], $0x3E80  }
0x1e: {  	[sflag:s16] =	ssyncset.done $0x0  }
0x1f: {  	s31 =	simm.s32 $0x2800;
	[sflag:s16] =	ssyncadd.s32 $0xFFFFC180  }
0x20: {  	[spmem:s2] =	stream.indirect.scatter.add.f32 [tilespmem:s15], [sflag:$0x2], $0x80, s31, s14, $0xb8;
	[tilespmem:$0x1C880] =	vst v63  }
0x21: {  	_ =	swait.ge [sflag:s10], $0x3E80  }
0x22: {  	s19 =	simm.s32 $0x400;
	s18 =	simm.s32 $0x200;
	[sflag:s10] =	ssyncset.done $0x0  }
.LBB2_2:
0x23: {  	s20 =	sshra.s32 s18, $0x2  }
0x24: {  	[sflag:s10] =	ssyncadd.s32 $0xFFFFC180;
	s18 =	smov.u32 s19;
	s21 =	sadd.s32 $0x200, s19  }
0x25: {  	[tilespmem:s15], [sflag:$0x1] =	stream.indirect.gather [hbm4b:s4+s14], $0x80, s20, s14, $0xb8;
	[tilespmem:$0x1C880] =	vst v63  }
0x26: {  	p0 =	sne.s32 s19, $0x9E00;
	_ =	swait.ge [sflag:s16], $0x3E80  }
.Ltmp0:
0x27: {  	[sflag:s16] =	ssyncset.done $0x0;
	(pc) =	sbr.rel @p0 .LBB2_2-.Ltmp0, $4  }
0x28: {  	s19 =	sadd.s32 $0x2800, s20;
	[sflag:s16] =	ssyncadd.s32 $0xFFFFC180  }
0x29: {  	[spmem:s2] =	stream.indirect.scatter.add.f32 [tilespmem:s15], [sflag:$0x2], $0x80, s19, s14, $0xb8;
	[tilespmem:$0x1C880] =	vst v63  }
0x2a: {  	_ =	swait.ge [sflag:s10], $0x3E80  }
0x2b: {  	s19 =	smov.u32 s21;
	[sflag:s10] =	ssyncset.done $0x0  }
0x2c: {  	s18 =	sshra.s32 s18, $0x2;
	[sflag:s10] =	ssyncadd.s32 $0xFFFFC180  }
0x2d: {  	[tilespmem:s15], [sflag:$0x1] =	stream.indirect.gather [hbm4b:s4+s14], $0x80, s18, s14, $0xb8;
	[tilespmem:$0x1C880] =	vst v63  }
0x2e: {  	_ =	swait.ge [sflag:s16], $0x3E80  }
0x2f: {  	[sflag:s16] =	ssyncset.done $0x0  }
0x30: {  	s18 =	sadd.s32 $0x2800, s18;
	[sflag:s16] =	ssyncadd.s32 $0xFFFFC180  }
0x31: {  	[spmem:s2] =	stream.indirect.scatter.add.f32 [tilespmem:s15], [sflag:$0x2], $0x80, s18, s14, $0xb8;
	[tilespmem:$0x1C880] =	vst v63  }
0x32: {  	_ =	swait.ge [sflag:s10], $0x3E80  }
0x33: {  	s17 =	sadd.s32 $0x1, s17;
	[sflag:s10] =	ssyncset.done $0x0  }
0x34: {  	p0 =	sne.s32 s17, s9;
	[sflag:s10] =	ssyncadd.s32 $0xFFFFC180  }
.Ltmp1:
0x35: {  	[bflag:$0x0] =	sbarrier.arrive $0xFFFF;
	(pc) =	sbr.rel @p0 .LBB2_1-.Ltmp1, $4  }
0x36: {  	[hbm:s8], [sflag:s12] =	dma.local [spmem:s13], $0x2710  }
0x37: {  	_ =	swait.ge [sflag:s10], $0x2710  }
0x38: {  	[sflag:s10] =	ssyncset.done $0x0  }
0x39: {  	[sflag:s10] =	ssyncadd.s32 $0xFFFFD8F0  }
0x3a: {  	_ =	sfence.sel $0x180000  }
0x3b: {  	[bflag:$0x0] =	sbarrier.arrive $0xFFFF  }
0x3c: {  	p0 =	sne.s32 s0, $0x0;
	_ =	strace $0x90000050  }
0x3d: {  	s0 =	sadd.s32 @!p0 $0x100000, s1;
	[bflag:$0x2] =	sbarrier.arrive $0xFFFF  }
0x3e: {  	[sflag:s0] =	ssyncadd.tile.s32 @!p0 $0x1;
	_ =	shalt  }
.Lfunc_end2:
_tile_overlayer_lowered:
.L_overlay_start_2:
0x3f: {  	(tag) =	ssettag $0x2  }
0x40: {  	s0 =	rddreg [dreg:$0x0];
	s2 =	stileid.u32  }
0x41: {  	s1 =	rddreg [dreg:$0x1];
	p0 =	sne.s32 s2, $0x0  }
0x42: {  	s3 =	rddreg [dreg:$0x2];
	[bflag:$0x3] =	sbarrier.arrive $0xFFFF;
	s2 =	simm.s32 @!p0 $0x1C02  }
0x43: {  	[timem:s3], [sflag:s2] =	dma.local @!p0 [hbm:s0], s1  }
0x44: {  	s0 =	simm.s32 @!p0 $0x2  }
0x45: {  	_ =	swait.ge @!p0 [sflag:s0], s1  }
0x46: {  	s1 =	ssub.s32 @!p0 $0x0, s1;
	[sflag:s0] =	ssyncset.done @!p0 $0x0  }
0x47: {  	[sflag:s0] =	ssyncadd.s32 @!p0 s1  }
0x48: {  	[bflag:$0x3] =	sbarrier.arrive $0xFFFF  }
0x49: {  	_ =	shalt  }

</sc_bundles>
